<compile_context>
chip_gen: v7x
topology: tpu7x:2x2x1
jax: 0.10.2.dev20260603
libtpu: 0.0.44.dev20260713+nightly
codegen_flags: <defaults>
</compile_context>

<pallas_src>
import jax
import jax.numpy as jnp
from jax import lax
from jax.experimental import pallas as pl
from jax.experimental.pallas import tpu as pltpu
from jax.experimental.pallas import tpu_sc as plsc

BATCH = 16384
DIM = 128
NC = 2
NS = 16
NW = NC * NS
BPW = BATCH // NW
CH = 64
NCHUNK = BPW // CH
LANES = 16
NBLK = DIM // (2 * LANES)
GROUPS = CH // LANES
NROW = 4
SPAD = LANES + 1


def _complex_score_body(idx_ht_hbm, idx_r_hbm, ent_re, ent_im, rel_cat,
                        out_hbm, idx_ht, idx_r, bre, bim, brel,
                        stage, out_v, sem0, sem1):
    wid = lax.axis_index("s") * NC + lax.axis_index("c")

    cp1 = pltpu.async_copy(idx_ht_hbm.at[pl.ds(wid * 2 * BPW, 2 * BPW)],
                           idx_ht, sem0)
    cp2 = pltpu.async_copy(idx_r_hbm.at[pl.ds(wid * BPW, BPW)], idx_r, sem1)
    cp1.wait()
    cp2.wait()

    def copies(g, parity):
        sem = sem0 if parity == 0 else sem1
        sl_ht = pl.ds(g * 2 * CH, 2 * CH)
        sl_r = pl.ds(g * CH, CH)
        return [
            (ent_re.at[idx_ht.at[sl_ht]], bre.at[parity], sem),
            (ent_im.at[idx_ht.at[sl_ht]], bim.at[parity], sem),
            (rel_cat.at[idx_r.at[sl_r]], brel.at[parity], sem),
        ]

    def issue(g, parity):
        for src, dst, sem in copies(g, parity):
            pltpu.async_copy(src, dst, sem)

    def drain(g, parity):
        for src, dst, sem in copies(g, parity):
            pltpu.make_async_copy(src, dst, sem).wait()

    lane_iota = lax.iota(jnp.int32, LANES)

    def compute(g, p):
        def group_body(gi, carry):
            row0 = gi * LANES

            def jblk_body(jb, carry2):
                j = jb * NROW
                ii = tuple(row0 + j + k for k in range(NROW))
                acc = [[jnp.zeros((LANES,), jnp.float32) for _ in range(2)]
                       for _ in range(NROW)]
                for blk in range(NBLK):
                    rels = []
                    for row in range(NROW):
                        vrr = plsc.bitcast(
                            brel[p, ii[row], pl.ds(blk * LANES, LANES)],
                            jnp.bfloat16)
                        vri = plsc.bitcast(
                            brel[p, ii[row],
                                 pl.ds(DIM // 2 + blk * LANES, LANES)],
                            jnp.bfloat16)
                        rr0, rr1 = plsc.unpack(
                            vrr, format=plsc.PackFormat.INTERLEAVED)
                        ri0, ri1 = plsc.unpack(
                            vri, format=plsc.PackFormat.INTERLEAVED)
                        rels.append(((rr0, ri0), (rr1, ri1)))
                    for half in range(2):
                        dsl = pl.ds((2 * blk + half) * LANES, LANES)
                        for row in range(NROW):
                            e, f = rels[row][half]
                            i = ii[row]
                            a = bre[p, i, dsl]
                            b = bim[p, i, dsl]
                            cc = bre[p, CH + i, dsl]
                            dd = bim[p, CH + i, dsl]
                            acc[row][0] = acc[row][0] + e * (a * cc + b * dd)
                            acc[row][1] = acc[row][1] + f * (a * dd - b * cc)
                for row in range(NROW - 1, -1, -1):
                    stage[j + row, pl.ds(0, LANES)] = (acc[row][0]
                                                       + acc[row][1])
                return carry2

            lax.fori_loop(0, LANES // NROW, jblk_body, 0)
            cols = [plsc.load_gather(stage,
                                     [lane_iota, jnp.full((LANES,), c,
                                                          jnp.int32)])
                    for c in range(LANES)]
            while len(cols) > 1:
                cols = [cols[k] + cols[k + 1] for k in range(0, len(cols), 2)]
            out_v[pl.ds(g * CH + row0, LANES)] = cols[0]
            return carry

        lax.fori_loop(0, GROUPS, group_body, 0)

    issue(0, 0)

    def chunk_body(g, carry):
        p = jnp.bitwise_and(g, 1)

        @pl.when(jnp.logical_and(g + 1 < NCHUNK, p == 0))
        def _():
            issue(g + 1, 1)

        @pl.when(jnp.logical_and(g + 1 < NCHUNK, p == 1))
        def _():
            issue(g + 1, 0)

        @pl.when(p == 0)
        def _():
            drain(g, 0)

        @pl.when(p == 1)
        def _():
            drain(g, 1)

        compute(g, p)
        return carry

    lax.fori_loop(0, NCHUNK, chunk_body, 0)

    pltpu.sync_copy(out_v, out_hbm.at[pl.ds(wid * BPW, BPW)])


@jax.jit
def _complex_score(h, r, t, ent_re, ent_im, rel_re, rel_im):
    hh = h.reshape(NW, NCHUNK, 1, CH)
    tt = t.reshape(NW, NCHUNK, 1, CH)
    idx_ht = jnp.concatenate([hh, tt], axis=2).reshape(-1)

    def perm(x):
        return x.reshape(-1, NBLK, 2, LANES).transpose(0, 1, 3, 2).reshape(
            -1, DIM)

    rel_cat16 = jnp.concatenate(
        [perm(rel_re), perm(rel_im)], axis=1).astype(jnp.bfloat16)
    rel_cat = jax.lax.bitcast_convert_type(
        rel_cat16.reshape(-1, DIM, 2), jnp.int32)

    mesh = plsc.VectorSubcoreMesh(core_axis_name="c", subcore_axis_name="s")
    kfn = pl.kernel(
        _complex_score_body,
        out_type=jax.ShapeDtypeStruct((BATCH,), jnp.float32),
        mesh=mesh,
        compiler_params=pltpu.CompilerParams(needs_layout_passes=False),
        scratch_types=[
            pltpu.VMEM((2 * BPW,), jnp.int32),
            pltpu.VMEM((BPW,), jnp.int32),
            pltpu.VMEM((2, 2 * CH, DIM), jnp.float32),
            pltpu.VMEM((2, 2 * CH, DIM), jnp.float32),
            pltpu.VMEM((2, CH, DIM), jnp.int32),
            pltpu.VMEM((LANES, SPAD), jnp.float32),
            pltpu.VMEM((BPW,), jnp.float32),
            pltpu.SemaphoreType.DMA,
            pltpu.SemaphoreType.DMA,
        ],
    )
    return kfn(idx_ht, r, ent_re, ent_im, rel_cat)


def kernel(h, r, t, ent_re, ent_im, rel_re, rel_im):
    return _complex_score(h.astype(jnp.int32), r.astype(jnp.int32),
                          t.astype(jnp.int32), ent_re, ent_im, rel_re, rel_im)

# --- scband reference (transcript-rebuilt; emitter-appended) ---
"""Pipeline reference for scband-compl-ex-84885733638282 (READ-ONLY COPY).

The authoritative reference and input builder live on the scoring server;
editing this copy changes nothing except your own understanding.
"""

import jax, jax.numpy as jnp
import numpy as np

NUM_NODES = 1000000
NUM_RELATIONS = 1000
DIM = 128
BATCH = 16384

def _xavier_uniform(key, shape):
    fan_in, fan_out = shape[0], shape[1]
    limit = float(np.sqrt(6.0 / (fan_in + fan_out)))
    return jax.random.uniform(key, shape, dtype=jnp.float32, minval=-limit, maxval=limit)

def setup_inputs(seed: int = 0) -> dict:
    key = jax.random.key(seed)
    k_h, k_r, k_t, k_er, k_ei, k_rr, k_ri = jax.random.split(key, 7)
    h = jax.random.randint(k_h, (BATCH,), 0, NUM_NODES, dtype=jnp.int64 if jax.config.jax_enable_x64 else jnp.int32)
    r = jax.random.randint(k_r, (BATCH,), 0, NUM_RELATIONS, dtype=jnp.int64 if jax.config.jax_enable_x64 else jnp.int32)
    t = jax.random.randint(k_t, (BATCH,), 0, NUM_NODES, dtype=jnp.int64 if jax.config.jax_enable_x64 else jnp.int32)
    ent_re = _xavier_uniform(k_er, (NUM_NODES, DIM))
    ent_im = _xavier_uniform(k_ei, (NUM_NODES, DIM))
    rel_re = _xavier_uniform(k_rr, (NUM_RELATIONS, DIM))
    rel_im = _xavier_uniform(k_ri, (NUM_RELATIONS, DIM))
    return {"h": h, "r": r, "t": t, "ent_re": ent_re, "ent_im": ent_im, "rel_re": rel_re, "rel_im": rel_im}

def reference(h, r, t, ent_re, ent_im, rel_re, rel_im):
    hr = jnp.take(ent_re, h, axis=0)
    hi = jnp.take(ent_im, h, axis=0)
    rr = jnp.take(rel_re, r, axis=0)
    ri = jnp.take(rel_im, r, axis=0)
    tr = jnp.take(ent_re, t, axis=0)
    ti = jnp.take(ent_im, t, axis=0)
    score = (hr * rr * tr + hi * rr * ti + hr * ri * ti - hi * ri * tr).sum(axis=-1)
    return score

if __name__ == "__main__":
    import jax
    _d = setup_inputs()
    print(jax.jit(kernel)(*tuple(_d.values())))

</pallas_src>

<mosaic_0001>
#map = affine_map<(d0, d1) -> (0)>
#map1 = affine_map<(d0, d1) -> (0, 0)>
module attributes {stable_mosaic.version = 14 : i64} {
  func.func @_complex_score_body(%arg0: i32, %arg1: i32, %arg2: memref<32768xi32, #tpu.memory_space<hbm>>, %arg3: memref<16384xi32, #tpu.memory_space<hbm>>, %arg4: memref<1000000x128xf32, #tpu.memory_space<hbm>>, %arg5: memref<1000000x128xf32, #tpu.memory_space<hbm>>, %arg6: memref<1000x128xi32, #tpu.memory_space<hbm>>, %arg7: memref<16384xf32, #tpu.memory_space<hbm>>, %arg8: memref<1024xi32, #tpu.memory_space<vmem>>, %arg9: memref<512xi32, #tpu.memory_space<vmem>>, %arg10: memref<2x128x128xf32, #tpu.memory_space<vmem>>, %arg11: memref<2x128x128xf32, #tpu.memory_space<vmem>>, %arg12: memref<2x64x128xi32, #tpu.memory_space<vmem>>, %arg13: memref<16x17xf32, #tpu.memory_space<vmem>>, %arg14: memref<512xf32, #tpu.memory_space<vmem>>, %arg15: memref<!tpu.dma_semaphore, #tpu.memory_space<semaphore_mem>>, %arg16: memref<!tpu.dma_semaphore, #tpu.memory_space<semaphore_mem>>) attributes {dimension_semantics = [#tpu.dimension_semantics<core_parallel>, #tpu.dimension_semantics<subcore_parallel>], iteration_bounds = array<i64: 2, 16>, scalar_prefetch = 0 : i64, scratch_operands = 9 : i64, tpu.core_type = #tpu.core_type<sc_vector_subcore>, window_params = [{transform_indices = #map}, {transform_indices = #map}, {transform_indices = #map1}, {transform_indices = #map1}, {transform_indices = #map1}, {transform_indices = #map}]} {
    %mul3A = arith.constant 2 : i32
    %mul3A_0 = arith.muli %arg1, %mul3A : i32
    %add3A = arith.addi %mul3A_0, %arg0 : i32
    %mul3A_1 = arith.constant 2 : i32
    %mul3A_2 = arith.muli %add3A, %mul3A_1 : i32
    %mul3A_3 = arith.constant 512 : i32
    %mul3A_4 = arith.muli %mul3A_2, %mul3A_3 : i32
    %dma_start3A = tpu.memref_slice %arg2[%mul3A_4] : memref<32768xi32, #tpu.memory_space<hbm>> -> memref<1024xi32, #tpu.memory_space<hbm>>
    %dma_start3A_5 = tpu.memref_slice %arg2[%mul3A_4] : memref<32768xi32, #tpu.memory_space<hbm>> -> memref<1024xi32, #tpu.memory_space<hbm>>
    tpu.enqueue_dma source(%dma_start3A_5 : memref<1024xi32, #tpu.memory_space<hbm>>) target(%arg8 : memref<1024xi32, #tpu.memory_space<vmem>>) target_semaphore(%arg15 : memref<!tpu.dma_semaphore, #tpu.memory_space<semaphore_mem>>)
    %mul3A_6 = arith.constant 512 : i32
    %mul3A_7 = arith.muli %add3A, %mul3A_6 : i32
    %dma_start3A_8 = tpu.memref_slice %arg3[%mul3A_7] : memref<16384xi32, #tpu.memory_space<hbm>> -> memref<512xi32, #tpu.memory_space<hbm>>
    %dma_start3A_9 = tpu.memref_slice %arg3[%mul3A_7] : memref<16384xi32, #tpu.memory_space<hbm>> -> memref<512xi32, #tpu.memory_space<hbm>>
    tpu.enqueue_dma source(%dma_start3A_9 : memref<512xi32, #tpu.memory_space<hbm>>) target(%arg9 : memref<512xi32, #tpu.memory_space<vmem>>) target_semaphore(%arg16 : memref<!tpu.dma_semaphore, #tpu.memory_space<semaphore_mem>>)
    %dma_wait3A = tpu.memref_slice %arg2[%mul3A_4] : memref<32768xi32, #tpu.memory_space<hbm>> -> memref<1024xi32, #tpu.memory_space<hbm>>
    %dma_wait3A_10 = tpu.memref_slice %arg2[%mul3A_4] : memref<32768xi32, #tpu.memory_space<hbm>> -> memref<1024xi32, #tpu.memory_space<hbm>>
    tpu.wait_dma2 semaphore(%arg15 : memref<!tpu.dma_semaphore, #tpu.memory_space<semaphore_mem>>) src(%dma_wait3A_10 : memref<1024xi32, #tpu.memory_space<hbm>>) dst(%arg8 : memref<1024xi32, #tpu.memory_space<vmem>>)
    %dma_wait3A_11 = tpu.memref_slice %arg3[%mul3A_7] : memref<16384xi32, #tpu.memory_space<hbm>> -> memref<512xi32, #tpu.memory_space<hbm>>
    %dma_wait3A_12 = tpu.memref_slice %arg3[%mul3A_7] : memref<16384xi32, #tpu.memory_space<hbm>> -> memref<512xi32, #tpu.memory_space<hbm>>
    tpu.wait_dma2 semaphore(%arg16 : memref<!tpu.dma_semaphore, #tpu.memory_space<semaphore_mem>>) src(%dma_wait3A_12 : memref<512xi32, #tpu.memory_space<hbm>>) dst(%arg9 : memref<512xi32, #tpu.memory_space<vmem>>)
    %iota3A = tpu.iota {dimensions = array<i32: 0>} : vector<16xi32>
    %dma_start3A_13 = arith.constant 0 : i32
    %dma_start3A_14 = arith.constant 0 : i32
    %dma_start3A_15 = arith.constant 0 : i32
    %dma_start3A_16 = tpu.memref_slice %arg10[%dma_start3A_13, %dma_start3A_14, %dma_start3A_15] : memref<2x128x128xf32, #tpu.memory_space<vmem>> -> memref<1x128x128xf32, #tpu.memory_space<vmem>>
    %dma_start3A_17 = tpu.memref_squeeze %dma_start3A_16 : memref<1x128x128xf32, #tpu.memory_space<vmem>> -> memref<128x128xf32, #tpu.memory_space<vmem>>
    %dma_start3A_18 = arith.constant 0 : i32
    %dma_start3A_19 = tpu.memref_slice %arg8[%dma_start3A_18] : memref<1024xi32, #tpu.memory_space<vmem>> -> memref<128xi32, #tpu.memory_space<vmem>>
    %dma_start3A_20 = arith.constant 0 : i32
    %dma_start3A_21 = arith.constant 0 : i32
    %dma_start3A_22 = tpu.memref_slice %arg4[%dma_start3A_20, %dma_start3A_21] : memref<1000000x128xf32, #tpu.memory_space<hbm>> -> memref<1000000x128xf32, #tpu.memory_space<hbm>>
    tpu.enqueue_indirect_dma source(%dma_start3A_22 : memref<1000000x128xf32, #tpu.memory_space<hbm>>) target(%dma_start3A_17 : memref<128x128xf32, #tpu.memory_space<vmem>>) offsets(%dma_start3A_19 : memref<128xi32, #tpu.memory_space<vmem>>) semaphore(%arg15 : memref<!tpu.dma_semaphore, #tpu.memory_space<semaphore_mem>>)
    %dma_start3A_23 = arith.constant 0 : i32
    %dma_start3A_24 = arith.constant 0 : i32
    %dma_start3A_25 = arith.constant 0 : i32
    %dma_start3A_26 = tpu.memref_slice %arg11[%dma_start3A_23, %dma_start3A_24, %dma_start3A_25] : memref<2x128x128xf32, #tpu.memory_space<vmem>> -> memref<1x128x128xf32, #tpu.memory_space<vmem>>
    %dma_start3A_27 = tpu.memref_squeeze %dma_start3A_26 : memref<1x128x128xf32, #tpu.memory_space<vmem>> -> memref<128x128xf32, #tpu.memory_space<vmem>>
    %dma_start3A_28 = arith.constant 0 : i32
    %dma_start3A_29 = tpu.memref_slice %arg8[%dma_start3A_28] : memref<1024xi32, #tpu.memory_space<vmem>> -> memref<128xi32, #tpu.memory_space<vmem>>
    %dma_start3A_30 = arith.constant 0 : i32
    %dma_start3A_31 = arith.constant 0 : i32
    %dma_start3A_32 = tpu.memref_slice %arg5[%dma_start3A_30, %dma_start3A_31] : memref<1000000x128xf32, #tpu.memory_space<hbm>> -> memref<1000000x128xf32, #tpu.memory_space<hbm>>
    tpu.enqueue_indirect_dma source(%dma_start3A_32 : memref<1000000x128xf32, #tpu.memory_space<hbm>>) target(%dma_start3A_27 : memref<128x128xf32, #tpu.memory_space<vmem>>) offsets(%dma_start3A_29 : memref<128xi32, #tpu.memory_space<vmem>>) semaphore(%arg15 : memref<!tpu.dma_semaphore, #tpu.memory_space<semaphore_mem>>)
    %dma_start3A_33 = arith.constant 0 : i32
    %dma_start3A_34 = arith.constant 0 : i32
    %dma_start3A_35 = arith.constant 0 : i32
    %dma_start3A_36 = tpu.memref_slice %arg12[%dma_start3A_33, %dma_start3A_34, %dma_start3A_35] : memref<2x64x128xi32, #tpu.memory_space<vmem>> -> memref<1x64x128xi32, #tpu.memory_space<vmem>>
    %dma_start3A_37 = tpu.memref_squeeze %dma_start3A_36 : memref<1x64x128xi32, #tpu.memory_space<vmem>> -> memref<64x128xi32, #tpu.memory_space<vmem>>
    %dma_start3A_38 = arith.constant 0 : i32
    %dma_start3A_39 = tpu.memref_slice %arg9[%dma_start3A_38] : memref<512xi32, #tpu.memory_space<vmem>> -> memref<64xi32, #tpu.memory_space<vmem>>
    %dma_start3A_40 = arith.constant 0 : i32
    %dma_start3A_41 = arith.constant 0 : i32
    %dma_start3A_42 = tpu.memref_slice %arg6[%dma_start3A_40, %dma_start3A_41] : memref<1000x128xi32, #tpu.memory_space<hbm>> -> memref<1000x128xi32, #tpu.memory_space<hbm>>
    tpu.enqueue_indirect_dma source(%dma_start3A_42 : memref<1000x128xi32, #tpu.memory_space<hbm>>) target(%dma_start3A_37 : memref<64x128xi32, #tpu.memory_space<vmem>>) offsets(%dma_start3A_39 : memref<64xi32, #tpu.memory_space<vmem>>) semaphore(%arg15 : memref<!tpu.dma_semaphore, #tpu.memory_space<semaphore_mem>>)
    %scan3A = arith.constant 0 : i32
    %scan3A_43 = arith.constant 0 : i32
    %scan3A_44 = arith.constant 8 : i32
    %scan3A_45 = arith.addi %scan3A_43, %scan3A_44 : i32
    %scan3A_46 = arith.constant 1 : i32
    scf.for %scan3A_50 = %scan3A_43 to %scan3A_45 step %scan3A_46  : i32 {
      %and3A = arith.constant 1 : i32
      %and3A_51 = arith.andi %scan3A_50, %and3A : i32
      %add3A_52 = arith.constant 1 : i32
      %add3A_53 = arith.addi %scan3A_50, %add3A_52 : i32
      %lt3A = arith.constant 8 : i32
      %lt3A_54 = arith.cmpi slt, %add3A_53, %lt3A : i32
      %eq3A = arith.constant 0 : i32
      %eq3A_55 = arith.cmpi eq, %and3A_51, %eq3A : i32
      %and3A_56 = arith.andi %lt3A_54, %eq3A_55 : i1
      %convert_element_type3A = arith.extui %and3A_56 : i1 to i32
      %cond3A = arith.constant 0 : i32
      %cond3A_57 = arith.cmpi ne, %convert_element_type3A, %cond3A : i32
      scf.if %cond3A_57 {
        %add3A_84 = arith.constant 1 : i32
        %add3A_85 = arith.addi %scan3A_50, %add3A_84 : i32
        %mul3A_86 = arith.constant 2 : i32
        %mul3A_87 = arith.muli %add3A_85, %mul3A_86 : i32
        %mul3A_88 = arith.constant 64 : i32
        %mul3A_89 = arith.muli %mul3A_87, %mul3A_88 : i32
        %mul3A_90 = arith.constant 64 : i32
        %mul3A_91 = arith.muli %add3A_85, %mul3A_90 : i32
        %dma_start3A_92 = arith.constant 1 : i32
        %dma_start3A_93 = arith.constant 0 : i32
        %dma_start3A_94 = arith.constant 0 : i32
        %dma_start3A_95 = tpu.memref_slice %arg10[%dma_start3A_92, %dma_start3A_93, %dma_start3A_94] : memref<2x128x128xf32, #tpu.memory_space<vmem>> -> memref<1x128x128xf32, #tpu.memory_space<vmem>>
        %dma_start3A_96 = tpu.memref_squeeze %dma_start3A_95 : memref<1x128x128xf32, #tpu.memory_space<vmem>> -> memref<128x128xf32, #tpu.memory_space<vmem>>
        %dma_start3A_97 = tpu.memref_slice %arg8[%mul3A_89] : memref<1024xi32, #tpu.memory_space<vmem>> -> memref<128xi32, #tpu.memory_space<vmem>>
        %dma_start3A_98 = arith.constant 0 : i32
        %dma_start3A_99 = arith.constant 0 : i32
        %dma_start3A_100 = tpu.memref_slice %arg4[%dma_start3A_98, %dma_start3A_99] : memref<1000000x128xf32, #tpu.memory_space<hbm>> -> memref<1000000x128xf32, #tpu.memory_space<hbm>>
        tpu.enqueue_indirect_dma source(%dma_start3A_100 : memref<1000000x128xf32, #tpu.memory_space<hbm>>) target(%dma_start3A_96 : memref<128x128xf32, #tpu.memory_space<vmem>>) offsets(%dma_start3A_97 : memref<128xi32, #tpu.memory_space<vmem>>) semaphore(%arg16 : memref<!tpu.dma_semaphore, #tpu.memory_space<semaphore_mem>>)
        %dma_start3A_101 = arith.constant 1 : i32
        %dma_start3A_102 = arith.constant 0 : i32
        %dma_start3A_103 = arith.constant 0 : i32
        %dma_start3A_104 = tpu.memref_slice %arg11[%dma_start3A_101, %dma_start3A_102, %dma_start3A_103] : memref<2x128x128xf32, #tpu.memory_space<vmem>> -> memref<1x128x128xf32, #tpu.memory_space<vmem>>
        %dma_start3A_105 = tpu.memref_squeeze %dma_start3A_104 : memref<1x128x128xf32, #tpu.memory_space<vmem>> -> memref<128x128xf32, #tpu.memory_space<vmem>>
        %dma_start3A_106 = tpu.memref_slice %arg8[%mul3A_89] : memref<1024xi32, #tpu.memory_space<vmem>> -> memref<128xi32, #tpu.memory_space<vmem>>
        %dma_start3A_107 = arith.constant 0 : i32
        %dma_start3A_108 = arith.constant 0 : i32
        %dma_start3A_109 = tpu.memref_slice %arg5[%dma_start3A_107, %dma_start3A_108] : memref<1000000x128xf32, #tpu.memory_space<hbm>> -> memref<1000000x128xf32, #tpu.memory_space<hbm>>
        tpu.enqueue_indirect_dma source(%dma_start3A_109 : memref<1000000x128xf32, #tpu.memory_space<hbm>>) target(%dma_start3A_105 : memref<128x128xf32, #tpu.memory_space<vmem>>) offsets(%dma_start3A_106 : memref<128xi32, #tpu.memory_space<vmem>>) semaphore(%arg16 : memref<!tpu.dma_semaphore, #tpu.memory_space<semaphore_mem>>)
        %dma_start3A_110 = arith.constant 1 : i32
        %dma_start3A_111 = arith.constant 0 : i32
        %dma_start3A_112 = arith.constant 0 : i32
        %dma_start3A_113 = tpu.memref_slice %arg12[%dma_start3A_110, %dma_start3A_111, %dma_start3A_112] : memref<2x64x128xi32, #tpu.memory_space<vmem>> -> memref<1x64x128xi32, #tpu.memory_space<vmem>>
        %dma_start3A_114 = tpu.memref_squeeze %dma_start3A_113 : memref<1x64x128xi32, #tpu.memory_space<vmem>> -> memref<64x128xi32, #tpu.memory_space<vmem>>
        %dma_start3A_115 = tpu.memref_slice %arg9[%mul3A_91] : memref<512xi32, #tpu.memory_space<vmem>> -> memref<64xi32, #tpu.memory_space<vmem>>
        %dma_start3A_116 = arith.constant 0 : i32
        %dma_start3A_117 = arith.constant 0 : i32
        %dma_start3A_118 = tpu.memref_slice %arg6[%dma_start3A_116, %dma_start3A_117] : memref<1000x128xi32, #tpu.memory_space<hbm>> -> memref<1000x128xi32, #tpu.memory_space<hbm>>
        tpu.enqueue_indirect_dma source(%dma_start3A_118 : memref<1000x128xi32, #tpu.memory_space<hbm>>) target(%dma_start3A_114 : memref<64x128xi32, #tpu.memory_space<vmem>>) offsets(%dma_start3A_115 : memref<64xi32, #tpu.memory_space<vmem>>) semaphore(%arg16 : memref<!tpu.dma_semaphore, #tpu.memory_space<semaphore_mem>>)
      } else {
      }
      %add3A_58 = arith.constant 1 : i32
      %add3A_59 = arith.addi %scan3A_50, %add3A_58 : i32
      %lt3A_60 = arith.constant 8 : i32
      %lt3A_61 = arith.cmpi slt, %add3A_59, %lt3A_60 : i32
      %eq3A_62 = arith.constant 1 : i32
      %eq3A_63 = arith.cmpi eq, %and3A_51, %eq3A_62 : i32
      %and3A_64 = arith.andi %lt3A_61, %eq3A_63 : i1
      %convert_element_type3A_65 = arith.extui %and3A_64 : i1 to i32
      %cond3A_66 = arith.constant 0 : i32
      %cond3A_67 = arith.cmpi ne, %convert_element_type3A_65, %cond3A_66 : i32
      scf.if %cond3A_67 {
        %add3A_84 = arith.constant 1 : i32
        %add3A_85 = arith.addi %scan3A_50, %add3A_84 : i32
        %mul3A_86 = arith.constant 2 : i32
        %mul3A_87 = arith.muli %add3A_85, %mul3A_86 : i32
        %mul3A_88 = arith.constant 64 : i32
        %mul3A_89 = arith.muli %mul3A_87, %mul3A_88 : i32
        %mul3A_90 = arith.constant 64 : i32
        %mul3A_91 = arith.muli %add3A_85, %mul3A_90 : i32
        %dma_start3A_92 = arith.constant 0 : i32
        %dma_start3A_93 = arith.constant 0 : i32
        %dma_start3A_94 = arith.constant 0 : i32
        %dma_start3A_95 = tpu.memref_slice %arg10[%dma_start3A_92, %dma_start3A_93, %dma_start3A_94] : memref<2x128x128xf32, #tpu.memory_space<vmem>> -> memref<1x128x128xf32, #tpu.memory_space<vmem>>
        %dma_start3A_96 = tpu.memref_squeeze %dma_start3A_95 : memref<1x128x128xf32, #tpu.memory_space<vmem>> -> memref<128x128xf32, #tpu.memory_space<vmem>>
        %dma_start3A_97 = tpu.memref_slice %arg8[%mul3A_89] : memref<1024xi32, #tpu.memory_space<vmem>> -> memref<128xi32, #tpu.memory_space<vmem>>
        %dma_start3A_98 = arith.constant 0 : i32
        %dma_start3A_99 = arith.constant 0 : i32
        %dma_start3A_100 = tpu.memref_slice %arg4[%dma_start3A_98, %dma_start3A_99] : memref<1000000x128xf32, #tpu.memory_space<hbm>> -> memref<1000000x128xf32, #tpu.memory_space<hbm>>
        tpu.enqueue_indirect_dma source(%dma_start3A_100 : memref<1000000x128xf32, #tpu.memory_space<hbm>>) target(%dma_start3A_96 : memref<128x128xf32, #tpu.memory_space<vmem>>) offsets(%dma_start3A_97 : memref<128xi32, #tpu.memory_space<vmem>>) semaphore(%arg15 : memref<!tpu.dma_semaphore, #tpu.memory_space<semaphore_mem>>)
        %dma_start3A_101 = arith.constant 0 : i32
        %dma_start3A_102 = arith.constant 0 : i32
        %dma_start3A_103 = arith.constant 0 : i32
        %dma_start3A_104 = tpu.memref_slice %arg11[%dma_start3A_101, %dma_start3A_102, %dma_start3A_103] : memref<2x128x128xf32, #tpu.memory_space<vmem>> -> memref<1x128x128xf32, #tpu.memory_space<vmem>>
        %dma_start3A_105 = tpu.memref_squeeze %dma_start3A_104 : memref<1x128x128xf32, #tpu.memory_space<vmem>> -> memref<128x128xf32, #tpu.memory_space<vmem>>
        %dma_start3A_106 = tpu.memref_slice %arg8[%mul3A_89] : memref<1024xi32, #tpu.memory_space<vmem>> -> memref<128xi32, #tpu.memory_space<vmem>>
        %dma_start3A_107 = arith.constant 0 : i32
        %dma_start3A_108 = arith.constant 0 : i32
        %dma_start3A_109 = tpu.memref_slice %arg5[%dma_start3A_107, %dma_start3A_108] : memref<1000000x128xf32, #tpu.memory_space<hbm>> -> memref<1000000x128xf32, #tpu.memory_space<hbm>>
        tpu.enqueue_indirect_dma source(%dma_start3A_109 : memref<1000000x128xf32, #tpu.memory_space<hbm>>) target(%dma_start3A_105 : memref<128x128xf32, #tpu.memory_space<vmem>>) offsets(%dma_start3A_106 : memref<128xi32, #tpu.memory_space<vmem>>) semaphore(%arg15 : memref<!tpu.dma_semaphore, #tpu.memory_space<semaphore_mem>>)
        %dma_start3A_110 = arith.constant 0 : i32
        %dma_start3A_111 = arith.constant 0 : i32
        %dma_start3A_112 = arith.constant 0 : i32
        %dma_start3A_113 = tpu.memref_slice %arg12[%dma_start3A_110, %dma_start3A_111, %dma_start3A_112] : memref<2x64x128xi32, #tpu.memory_space<vmem>> -> memref<1x64x128xi32, #tpu.memory_space<vmem>>
        %dma_start3A_114 = tpu.memref_squeeze %dma_start3A_113 : memref<1x64x128xi32, #tpu.memory_space<vmem>> -> memref<64x128xi32, #tpu.memory_space<vmem>>
        %dma_start3A_115 = tpu.memref_slice %arg9[%mul3A_91] : memref<512xi32, #tpu.memory_space<vmem>> -> memref<64xi32, #tpu.memory_space<vmem>>
        %dma_start3A_116 = arith.constant 0 : i32
        %dma_start3A_117 = arith.constant 0 : i32
        %dma_start3A_118 = tpu.memref_slice %arg6[%dma_start3A_116, %dma_start3A_117] : memref<1000x128xi32, #tpu.memory_space<hbm>> -> memref<1000x128xi32, #tpu.memory_space<hbm>>
        tpu.enqueue_indirect_dma source(%dma_start3A_118 : memref<1000x128xi32, #tpu.memory_space<hbm>>) target(%dma_start3A_114 : memref<64x128xi32, #tpu.memory_space<vmem>>) offsets(%dma_start3A_115 : memref<64xi32, #tpu.memory_space<vmem>>) semaphore(%arg15 : memref<!tpu.dma_semaphore, #tpu.memory_space<semaphore_mem>>)
      } else {
      }
      %eq3A_68 = arith.constant 0 : i32
      %eq3A_69 = arith.cmpi eq, %and3A_51, %eq3A_68 : i32
      %convert_element_type3A_70 = arith.extui %eq3A_69 : i1 to i32
      %cond3A_71 = arith.constant 0 : i32
      %cond3A_72 = arith.cmpi ne, %convert_element_type3A_70, %cond3A_71 : i32
      scf.if %cond3A_72 {
        %mul3A_84 = arith.constant 2 : i32
        %mul3A_85 = arith.muli %scan3A_50, %mul3A_84 : i32
        %mul3A_86 = arith.constant 64 : i32
        %mul3A_87 = arith.muli %mul3A_85, %mul3A_86 : i32
        %mul3A_88 = arith.constant 64 : i32
        %mul3A_89 = arith.muli %scan3A_50, %mul3A_88 : i32
        %dma_wait3A_90 = arith.constant 0 : i32
        %dma_wait3A_91 = arith.constant 0 : i32
        %dma_wait3A_92 = arith.constant 0 : i32
        %dma_wait3A_93 = tpu.memref_slice %arg10[%dma_wait3A_90, %dma_wait3A_91, %dma_wait3A_92] : memref<2x128x128xf32, #tpu.memory_space<vmem>> -> memref<1x128x128xf32, #tpu.memory_space<vmem>>
        %dma_wait3A_94 = tpu.memref_squeeze %dma_wait3A_93 : memref<1x128x128xf32, #tpu.memory_space<vmem>> -> memref<128x128xf32, #tpu.memory_space<vmem>>
        %dma_wait3A_95 = tpu.memref_slice %arg8[%mul3A_87] : memref<1024xi32, #tpu.memory_space<vmem>> -> memref<128xi32, #tpu.memory_space<vmem>>
        %dma_wait3A_96 = arith.constant 0 : i32
        %dma_wait3A_97 = arith.constant 0 : i32
        %dma_wait3A_98 = tpu.memref_slice %arg4[%dma_wait3A_96, %dma_wait3A_97] : memref<1000000x128xf32, #tpu.memory_space<hbm>> -> memref<1000000x128xf32, #tpu.memory_space<hbm>>
        tpu.wait_indirect_dma semaphore(%arg15 : memref<!tpu.dma_semaphore, #tpu.memory_space<semaphore_mem>>) src(%dma_wait3A_98 : memref<1000000x128xf32, #tpu.memory_space<hbm>>) dst(%dma_wait3A_94 : memref<128x128xf32, #tpu.memory_space<vmem>>)
        %dma_wait3A_99 = arith.constant 0 : i32
        %dma_wait3A_100 = arith.constant 0 : i32
        %dma_wait3A_101 = arith.constant 0 : i32
        %dma_wait3A_102 = tpu.memref_slice %arg11[%dma_wait3A_99, %dma_wait3A_100, %dma_wait3A_101] : memref<2x128x128xf32, #tpu.memory_space<vmem>> -> memref<1x128x128xf32, #tpu.memory_space<vmem>>
        %dma_wait3A_103 = tpu.memref_squeeze %dma_wait3A_102 : memref<1x128x128xf32, #tpu.memory_space<vmem>> -> memref<128x128xf32, #tpu.memory_space<vmem>>
        %dma_wait3A_104 = tpu.memref_slice %arg8[%mul3A_87] : memref<1024xi32, #tpu.memory_space<vmem>> -> memref<128xi32, #tpu.memory_space<vmem>>
        %dma_wait3A_105 = arith.constant 0 : i32
        %dma_wait3A_106 = arith.constant 0 : i32
        %dma_wait3A_107 = tpu.memref_slice %arg5[%dma_wait3A_105, %dma_wait3A_106] : memref<1000000x128xf32, #tpu.memory_space<hbm>> -> memref<1000000x128xf32, #tpu.memory_space<hbm>>
        tpu.wait_indirect_dma semaphore(%arg15 : memref<!tpu.dma_semaphore, #tpu.memory_space<semaphore_mem>>) src(%dma_wait3A_107 : memref<1000000x128xf32, #tpu.memory_space<hbm>>) dst(%dma_wait3A_103 : memref<128x128xf32, #tpu.memory_space<vmem>>)
        %dma_wait3A_108 = arith.constant 0 : i32
        %dma_wait3A_109 = arith.constant 0 : i32
        %dma_wait3A_110 = arith.constant 0 : i32
        %dma_wait3A_111 = tpu.memref_slice %arg12[%dma_wait3A_108, %dma_wait3A_109, %dma_wait3A_110] : memref<2x64x128xi32, #tpu.memory_space<vmem>> -> memref<1x64x128xi32, #tpu.memory_space<vmem>>
        %dma_wait3A_112 = tpu.memref_squeeze %dma_wait3A_111 : memref<1x64x128xi32, #tpu.memory_space<vmem>> -> memref<64x128xi32, #tpu.memory_space<vmem>>
        %dma_wait3A_113 = tpu.memref_slice %arg9[%mul3A_89] : memref<512xi32, #tpu.memory_space<vmem>> -> memref<64xi32, #tpu.memory_space<vmem>>
        %dma_wait3A_114 = arith.constant 0 : i32
        %dma_wait3A_115 = arith.constant 0 : i32
        %dma_wait3A_116 = tpu.memref_slice %arg6[%dma_wait3A_114, %dma_wait3A_115] : memref<1000x128xi32, #tpu.memory_space<hbm>> -> memref<1000x128xi32, #tpu.memory_space<hbm>>
        tpu.wait_indirect_dma semaphore(%arg15 : memref<!tpu.dma_semaphore, #tpu.memory_space<semaphore_mem>>) src(%dma_wait3A_116 : memref<1000x128xi32, #tpu.memory_space<hbm>>) dst(%dma_wait3A_112 : memref<64x128xi32, #tpu.memory_space<vmem>>)
      } else {
      }
      %eq3A_73 = arith.constant 1 : i32
      %eq3A_74 = arith.cmpi eq, %and3A_51, %eq3A_73 : i32
      %convert_element_type3A_75 = arith.extui %eq3A_74 : i1 to i32
      %cond3A_76 = arith.constant 0 : i32
      %cond3A_77 = arith.cmpi ne, %convert_element_type3A_75, %cond3A_76 : i32
      scf.if %cond3A_77 {
        %mul3A_84 = arith.constant 2 : i32
        %mul3A_85 = arith.muli %scan3A_50, %mul3A_84 : i32
        %mul3A_86 = arith.constant 64 : i32
        %mul3A_87 = arith.muli %mul3A_85, %mul3A_86 : i32
        %mul3A_88 = arith.constant 64 : i32
        %mul3A_89 = arith.muli %scan3A_50, %mul3A_88 : i32
        %dma_wait3A_90 = arith.constant 1 : i32
        %dma_wait3A_91 = arith.constant 0 : i32
        %dma_wait3A_92 = arith.constant 0 : i32
        %dma_wait3A_93 = tpu.memref_slice %arg10[%dma_wait3A_90, %dma_wait3A_91, %dma_wait3A_92] : memref<2x128x128xf32, #tpu.memory_space<vmem>> -> memref<1x128x128xf32, #tpu.memory_space<vmem>>
        %dma_wait3A_94 = tpu.memref_squeeze %dma_wait3A_93 : memref<1x128x128xf32, #tpu.memory_space<vmem>> -> memref<128x128xf32, #tpu.memory_space<vmem>>
        %dma_wait3A_95 = tpu.memref_slice %arg8[%mul3A_87] : memref<1024xi32, #tpu.memory_space<vmem>> -> memref<128xi32, #tpu.memory_space<vmem>>
        %dma_wait3A_96 = arith.constant 0 : i32
        %dma_wait3A_97 = arith.constant 0 : i32
        %dma_wait3A_98 = tpu.memref_slice %arg4[%dma_wait3A_96, %dma_wait3A_97] : memref<1000000x128xf32, #tpu.memory_space<hbm>> -> memref<1000000x128xf32, #tpu.memory_space<hbm>>
        tpu.wait_indirect_dma semaphore(%arg16 : memref<!tpu.dma_semaphore, #tpu.memory_space<semaphore_mem>>) src(%dma_wait3A_98 : memref<1000000x128xf32, #tpu.memory_space<hbm>>) dst(%dma_wait3A_94 : memref<128x128xf32, #tpu.memory_space<vmem>>)
        %dma_wait3A_99 = arith.constant 1 : i32
        %dma_wait3A_100 = arith.constant 0 : i32
        %dma_wait3A_101 = arith.constant 0 : i32
        %dma_wait3A_102 = tpu.memref_slice %arg11[%dma_wait3A_99, %dma_wait3A_100, %dma_wait3A_101] : memref<2x128x128xf32, #tpu.memory_space<vmem>> -> memref<1x128x128xf32, #tpu.memory_space<vmem>>
        %dma_wait3A_103 = tpu.memref_squeeze %dma_wait3A_102 : memref<1x128x128xf32, #tpu.memory_space<vmem>> -> memref<128x128xf32, #tpu.memory_space<vmem>>
        %dma_wait3A_104 = tpu.memref_slice %arg8[%mul3A_87] : memref<1024xi32, #tpu.memory_space<vmem>> -> memref<128xi32, #tpu.memory_space<vmem>>
        %dma_wait3A_105 = arith.constant 0 : i32
        %dma_wait3A_106 = arith.constant 0 : i32
        %dma_wait3A_107 = tpu.memref_slice %arg5[%dma_wait3A_105, %dma_wait3A_106] : memref<1000000x128xf32, #tpu.memory_space<hbm>> -> memref<1000000x128xf32, #tpu.memory_space<hbm>>
        tpu.wait_indirect_dma semaphore(%arg16 : memref<!tpu.dma_semaphore, #tpu.memory_space<semaphore_mem>>) src(%dma_wait3A_107 : memref<1000000x128xf32, #tpu.memory_space<hbm>>) dst(%dma_wait3A_103 : memref<128x128xf32, #tpu.memory_space<vmem>>)
        %dma_wait3A_108 = arith.constant 1 : i32
        %dma_wait3A_109 = arith.constant 0 : i32
        %dma_wait3A_110 = arith.constant 0 : i32
        %dma_wait3A_111 = tpu.memref_slice %arg12[%dma_wait3A_108, %dma_wait3A_109, %dma_wait3A_110] : memref<2x64x128xi32, #tpu.memory_space<vmem>> -> memref<1x64x128xi32, #tpu.memory_space<vmem>>
        %dma_wait3A_112 = tpu.memref_squeeze %dma_wait3A_111 : memref<1x64x128xi32, #tpu.memory_space<vmem>> -> memref<64x128xi32, #tpu.memory_space<vmem>>
        %dma_wait3A_113 = tpu.memref_slice %arg9[%mul3A_89] : memref<512xi32, #tpu.memory_space<vmem>> -> memref<64xi32, #tpu.memory_space<vmem>>
        %dma_wait3A_114 = arith.constant 0 : i32
        %dma_wait3A_115 = arith.constant 0 : i32
        %dma_wait3A_116 = tpu.memref_slice %arg6[%dma_wait3A_114, %dma_wait3A_115] : memref<1000x128xi32, #tpu.memory_space<hbm>> -> memref<1000x128xi32, #tpu.memory_space<hbm>>
        tpu.wait_indirect_dma semaphore(%arg16 : memref<!tpu.dma_semaphore, #tpu.memory_space<semaphore_mem>>) src(%dma_wait3A_116 : memref<1000x128xi32, #tpu.memory_space<hbm>>) dst(%dma_wait3A_112 : memref<64x128xi32, #tpu.memory_space<vmem>>)
      } else {
      }
      %scan3A_78 = arith.constant 0 : i32
      %scan3A_79 = arith.constant 0 : i32
      %scan3A_80 = arith.constant 4 : i32
      %scan3A_81 = arith.addi %scan3A_79, %scan3A_80 : i32
      %scan3A_82 = arith.constant 1 : i32
      scf.for %scan3A_84 = %scan3A_79 to %scan3A_81 step %scan3A_82  : i32 {
        %mul3A_85 = arith.constant 16 : i32
        %mul3A_86 = arith.muli %scan3A_84, %mul3A_85 : i32
        %scan3A_87 = arith.constant 0 : i32
        %scan3A_88 = arith.constant 0 : i32
        %scan3A_89 = arith.constant 4 : i32
        %scan3A_90 = arith.addi %scan3A_88, %scan3A_89 : i32
        %scan3A_91 = arith.constant 1 : i32
        scf.for %scan3A_158 = %scan3A_88 to %scan3A_90 step %scan3A_91  : i32 {
          %mul3A_159 = arith.constant 4 : i32
          %mul3A_160 = arith.muli %scan3A_158, %mul3A_159 : i32
          %add3A_161 = arith.addi %mul3A_86, %mul3A_160 : i32
          %add3A_162 = arith.constant 0 : i32
          %add3A_163 = arith.addi %add3A_161, %add3A_162 : i32
          %add3A_164 = arith.addi %mul3A_86, %mul3A_160 : i32
          %add3A_165 = arith.constant 1 : i32
          %add3A_166 = arith.addi %add3A_164, %add3A_165 : i32
          %add3A_167 = arith.addi %mul3A_86, %mul3A_160 : i32
          %add3A_168 = arith.constant 2 : i32
          %add3A_169 = arith.addi %add3A_167, %add3A_168 : i32
          %add3A_170 = arith.addi %mul3A_86, %mul3A_160 : i32
          %add3A_171 = arith.constant 3 : i32
          %add3A_172 = arith.addi %add3A_170, %add3A_171 : i32
          %broadcast_in_dim3A_173 = arith.constant 0.000000e+00 : f32
          %broadcast_in_dim3A_174 = vector.broadcast %broadcast_in_dim3A_173 : f32 to vector<16xf32>
          %broadcast_in_dim3A_175 = arith.constant 0.000000e+00 : f32
          %broadcast_in_dim3A_176 = vector.broadcast %broadcast_in_dim3A_175 : f32 to vector<16xf32>
          %broadcast_in_dim3A_177 = arith.constant 0.000000e+00 : f32
          %broadcast_in_dim3A_178 = vector.broadcast %broadcast_in_dim3A_177 : f32 to vector<16xf32>
          %broadcast_in_dim3A_179 = arith.constant 0.000000e+00 : f32
          %broadcast_in_dim3A_180 = vector.broadcast %broadcast_in_dim3A_179 : f32 to vector<16xf32>
          %broadcast_in_dim3A_181 = arith.constant 0.000000e+00 : f32
          %broadcast_in_dim3A_182 = vector.broadcast %broadcast_in_dim3A_181 : f32 to vector<16xf32>
          %broadcast_in_dim3A_183 = arith.constant 0.000000e+00 : f32
          %broadcast_in_dim3A_184 = vector.broadcast %broadcast_in_dim3A_183 : f32 to vector<16xf32>
          %broadcast_in_dim3A_185 = arith.constant 0.000000e+00 : f32
          %broadcast_in_dim3A_186 = vector.broadcast %broadcast_in_dim3A_185 : f32 to vector<16xf32>
          %broadcast_in_dim3A_187 = arith.constant 0.000000e+00 : f32
          %broadcast_in_dim3A_188 = vector.broadcast %broadcast_in_dim3A_187 : f32 to vector<16xf32>
          %get3A = arith.index_cast %and3A_51 : i32 to index
          %get3A_189 = arith.index_cast %add3A_163 : i32 to index
          %get3A_190 = arith.constant 0 : index
          %get3A_191 = tpu.vector_load %arg12[%get3A, %get3A_189, %get3A_190] {strides = array<i32>} : memref<2x64x128xi32, #tpu.memory_space<vmem>>, vector<16xi32>,
          %bitcast3A = vector.bitcast %get3A_191 : vector<16xi32> to vector<32xbf16>
          %get3A_192 = arith.index_cast %and3A_51 : i32 to index
          %get3A_193 = arith.index_cast %add3A_163 : i32 to index
          %get3A_194 = arith.constant 64 : index
          %get3A_195 = tpu.vector_load %arg12[%get3A_192, %get3A_193, %get3A_194] {strides = array<i32>} : memref<2x64x128xi32, #tpu.memory_space<vmem>>, vector<16xi32>,
          %bitcast3A_196 = vector.bitcast %get3A_195 : vector<16xi32> to vector<32xbf16>
          %unpack3A = tpu.unpack_subelements %bitcast3A, 0 {pack_format = #tpu.pack_format<interleaved>} : vector<32xbf16> -> vector<16xf32>
          %unpack3A_197 = tpu.unpack_subelements %bitcast3A, 1 {pack_format = #tpu.pack_format<interleaved>} : vector<32xbf16> -> vector<16xf32>
          %unpack3A_198 = tpu.unpack_subelements %bitcast3A_196, 0 {pack_format = #tpu.pack_format<interleaved>} : vector<32xbf16> -> vector<16xf32>
          %unpack3A_199 = tpu.unpack_subelements %bitcast3A_196, 1 {pack_format = #tpu.pack_format<interleaved>} : vector<32xbf16> -> vector<16xf32>
          %get3A_200 = arith.index_cast %and3A_51 : i32 to index
          %get3A_201 = arith.index_cast %add3A_166 : i32 to index
          %get3A_202 = arith.constant 0 : index
          %get3A_203 = tpu.vector_load %arg12[%get3A_200, %get3A_201, %get3A_202] {strides = array<i32>} : memref<2x64x128xi32, #tpu.memory_space<vmem>>, vector<16xi32>,
          %bitcast3A_204 = vector.bitcast %get3A_203 : vector<16xi32> to vector<32xbf16>
          %get3A_205 = arith.index_cast %and3A_51 : i32 to index
          %get3A_206 = arith.index_cast %add3A_166 : i32 to index
          %get3A_207 = arith.constant 64 : index
          %get3A_208 = tpu.vector_load %arg12[%get3A_205, %get3A_206, %get3A_207] {strides = array<i32>} : memref<2x64x128xi32, #tpu.memory_space<vmem>>, vector<16xi32>,
          %bitcast3A_209 = vector.bitcast %get3A_208 : vector<16xi32> to vector<32xbf16>
          %unpack3A_210 = tpu.unpack_subelements %bitcast3A_204, 0 {pack_format = #tpu.pack_format<interleaved>} : vector<32xbf16> -> vector<16xf32>
          %unpack3A_211 = tpu.unpack_subelements %bitcast3A_204, 1 {pack_format = #tpu.pack_format<interleaved>} : vector<32xbf16> -> vector<16xf32>
          %unpack3A_212 = tpu.unpack_subelements %bitcast3A_209, 0 {pack_format = #tpu.pack_format<interleaved>} : vector<32xbf16> -> vector<16xf32>
          %unpack3A_213 = tpu.unpack_subelements %bitcast3A_209, 1 {pack_format = #tpu.pack_format<interleaved>} : vector<32xbf16> -> vector<16xf32>
          %get3A_214 = arith.index_cast %and3A_51 : i32 to index
          %get3A_215 = arith.index_cast %add3A_169 : i32 to index
          %get3A_216 = arith.constant 0 : index
          %get3A_217 = tpu.vector_load %arg12[%get3A_214, %get3A_215, %get3A_216] {strides = array<i32>} : memref<2x64x128xi32, #tpu.memory_space<vmem>>, vector<16xi32>,
          %bitcast3A_218 = vector.bitcast %get3A_217 : vector<16xi32> to vector<32xbf16>
          %get3A_219 = arith.index_cast %and3A_51 : i32 to index
          %get3A_220 = arith.index_cast %add3A_169 : i32 to index
          %get3A_221 = arith.constant 64 : index
          %get3A_222 = tpu.vector_load %arg12[%get3A_219, %get3A_220, %get3A_221] {strides = array<i32>} : memref<2x64x128xi32, #tpu.memory_space<vmem>>, vector<16xi32>,
          %bitcast3A_223 = vector.bitcast %get3A_222 : vector<16xi32> to vector<32xbf16>
          %unpack3A_224 = tpu.unpack_subelements %bitcast3A_218, 0 {pack_format = #tpu.pack_format<interleaved>} : vector<32xbf16> -> vector<16xf32>
          %unpack3A_225 = tpu.unpack_subelements %bitcast3A_218, 1 {pack_format = #tpu.pack_format<interleaved>} : vector<32xbf16> -> vector<16xf32>
          %unpack3A_226 = tpu.unpack_subelements %bitcast3A_223, 0 {pack_format = #tpu.pack_format<interleaved>} : vector<32xbf16> -> vector<16xf32>
          %unpack3A_227 = tpu.unpack_subelements %bitcast3A_223, 1 {pack_format = #tpu.pack_format<interleaved>} : vector<32xbf16> -> vector<16xf32>
          %get3A_228 = arith.index_cast %and3A_51 : i32 to index
          %get3A_229 = arith.index_cast %add3A_172 : i32 to index
          %get3A_230 = arith.constant 0 : index
          %get3A_231 = tpu.vector_load %arg12[%get3A_228, %get3A_229, %get3A_230] {strides = array<i32>} : memref<2x64x128xi32, #tpu.memory_space<vmem>>, vector<16xi32>,
          %bitcast3A_232 = vector.bitcast %get3A_231 : vector<16xi32> to vector<32xbf16>
          %get3A_233 = arith.index_cast %and3A_51 : i32 to index
          %get3A_234 = arith.index_cast %add3A_172 : i32 to index
          %get3A_235 = arith.constant 64 : index
          %get3A_236 = tpu.vector_load %arg12[%get3A_233, %get3A_234, %get3A_235] {strides = array<i32>} : memref<2x64x128xi32, #tpu.memory_space<vmem>>, vector<16xi32>,
          %bitcast3A_237 = vector.bitcast %get3A_236 : vector<16xi32> to vector<32xbf16>
          %unpack3A_238 = tpu.unpack_subelements %bitcast3A_232, 0 {pack_format = #tpu.pack_format<interleaved>} : vector<32xbf16> -> vector<16xf32>
          %unpack3A_239 = tpu.unpack_subelements %bitcast3A_232, 1 {pack_format = #tpu.pack_format<interleaved>} : vector<32xbf16> -> vector<16xf32>
          %unpack3A_240 = tpu.unpack_subelements %bitcast3A_237, 0 {pack_format = #tpu.pack_format<interleaved>} : vector<32xbf16> -> vector<16xf32>
          %unpack3A_241 = tpu.unpack_subelements %bitcast3A_237, 1 {pack_format = #tpu.pack_format<interleaved>} : vector<32xbf16> -> vector<16xf32>
          %get3A_242 = arith.index_cast %and3A_51 : i32 to index
          %get3A_243 = arith.index_cast %add3A_163 : i32 to index
          %get3A_244 = arith.constant 0 : index
          %get3A_245 = tpu.vector_load %arg10[%get3A_242, %get3A_243, %get3A_244] {strides = array<i32>} : memref<2x128x128xf32, #tpu.memory_space<vmem>>, vector<16xf32>,
          %get3A_246 = arith.index_cast %and3A_51 : i32 to index
          %get3A_247 = arith.index_cast %add3A_163 : i32 to index
          %get3A_248 = arith.constant 0 : index
          %get3A_249 = tpu.vector_load %arg11[%get3A_246, %get3A_247, %get3A_248] {strides = array<i32>} : memref<2x128x128xf32, #tpu.memory_space<vmem>>, vector<16xf32>,
          %add3A_250 = arith.constant 64 : i32
          %add3A_251 = arith.addi %add3A_250, %add3A_163 : i32
          %get3A_252 = arith.index_cast %and3A_51 : i32 to index
          %get3A_253 = arith.index_cast %add3A_251 : i32 to index
          %get3A_254 = arith.constant 0 : index
          %get3A_255 = tpu.vector_load %arg10[%get3A_252, %get3A_253, %get3A_254] {strides = array<i32>} : memref<2x128x128xf32, #tpu.memory_space<vmem>>, vector<16xf32>,
          %add3A_256 = arith.constant 64 : i32
          %add3A_257 = arith.addi %add3A_256, %add3A_163 : i32
          %get3A_258 = arith.index_cast %and3A_51 : i32 to index
          %get3A_259 = arith.index_cast %add3A_257 : i32 to index
          %get3A_260 = arith.constant 0 : index
          %get3A_261 = tpu.vector_load %arg11[%get3A_258, %get3A_259, %get3A_260] {strides = array<i32>} : memref<2x128x128xf32, #tpu.memory_space<vmem>>, vector<16xf32>,
          %mul3A_262 = arith.mulf %get3A_245, %get3A_255 : vector<16xf32>
          %mul3A_263 = arith.mulf %get3A_249, %get3A_261 : vector<16xf32>
          %add3A_264 = arith.addf %mul3A_262, %mul3A_263 : vector<16xf32>
          %mul3A_265 = arith.mulf %unpack3A, %add3A_264 : vector<16xf32>
          %add3A_266 = arith.addf %broadcast_in_dim3A_174, %mul3A_265 : vector<16xf32>
          %mul3A_267 = arith.mulf %get3A_245, %get3A_261 : vector<16xf32>
          %mul3A_268 = arith.mulf %get3A_249, %get3A_255 : vector<16xf32>
          %sub3A = arith.subf %mul3A_267, %mul3A_268 : vector<16xf32>
          %mul3A_269 = arith.mulf %unpack3A_198, %sub3A : vector<16xf32>
          %add3A_270 = arith.addf %broadcast_in_dim3A_176, %mul3A_269 : vector<16xf32>
          %get3A_271 = arith.index_cast %and3A_51 : i32 to index
          %get3A_272 = arith.index_cast %add3A_166 : i32 to index
          %get3A_273 = arith.constant 0 : index
          %get3A_274 = tpu.vector_load %arg10[%get3A_271, %get3A_272, %get3A_273] {strides = array<i32>} : memref<2x128x128xf32, #tpu.memory_space<vmem>>, vector<16xf32>,
          %get3A_275 = arith.index_cast %and3A_51 : i32 to index
          %get3A_276 = arith.index_cast %add3A_166 : i32 to index
          %get3A_277 = arith.constant 0 : index
          %get3A_278 = tpu.vector_load %arg11[%get3A_275, %get3A_276, %get3A_277] {strides = array<i32>} : memref<2x128x128xf32, #tpu.memory_space<vmem>>, vector<16xf32>,
          %add3A_279 = arith.constant 64 : i32
          %add3A_280 = arith.addi %add3A_279, %add3A_166 : i32
          %get3A_281 = arith.index_cast %and3A_51 : i32 to index
          %get3A_282 = arith.index_cast %add3A_280 : i32 to index
          %get3A_283 = arith.constant 0 : index
          %get3A_284 = tpu.vector_load %arg10[%get3A_281, %get3A_282, %get3A_283] {strides = array<i32>} : memref<2x128x128xf32, #tpu.memory_space<vmem>>, vector<16xf32>,
          %add3A_285 = arith.constant 64 : i32
          %add3A_286 = arith.addi %add3A_285, %add3A_166 : i32
          %get3A_287 = arith.index_cast %and3A_51 : i32 to index
          %get3A_288 = arith.index_cast %add3A_286 : i32 to index
          %get3A_289 = arith.constant 0 : index
          %get3A_290 = tpu.vector_load %arg11[%get3A_287, %get3A_288, %get3A_289] {strides = array<i32>} : memref<2x128x128xf32, #tpu.memory_space<vmem>>, vector<16xf32>,
          %mul3A_291 = arith.mulf %get3A_274, %get3A_284 : vector<16xf32>
          %mul3A_292 = arith.mulf %get3A_278, %get3A_290 : vector<16xf32>
          %add3A_293 = arith.addf %mul3A_291, %mul3A_292 : vector<16xf32>
          %mul3A_294 = arith.mulf %unpack3A_210, %add3A_293 : vector<16xf32>
          %add3A_295 = arith.addf %broadcast_in_dim3A_178, %mul3A_294 : vector<16xf32>
          %mul3A_296 = arith.mulf %get3A_274, %get3A_290 : vector<16xf32>
          %mul3A_297 = arith.mulf %get3A_278, %get3A_284 : vector<16xf32>
          %sub3A_298 = arith.subf %mul3A_296, %mul3A_297 : vector<16xf32>
          %mul3A_299 = arith.mulf %unpack3A_212, %sub3A_298 : vector<16xf32>
          %add3A_300 = arith.addf %broadcast_in_dim3A_180, %mul3A_299 : vector<16xf32>
          %get3A_301 = arith.index_cast %and3A_51 : i32 to index
          %get3A_302 = arith.index_cast %add3A_169 : i32 to index
          %get3A_303 = arith.constant 0 : index
          %get3A_304 = tpu.vector_load %arg10[%get3A_301, %get3A_302, %get3A_303] {strides = array<i32>} : memref<2x128x128xf32, #tpu.memory_space<vmem>>, vector<16xf32>,
          %get3A_305 = arith.index_cast %and3A_51 : i32 to index
          %get3A_306 = arith.index_cast %add3A_169 : i32 to index
          %get3A_307 = arith.constant 0 : index
          %get3A_308 = tpu.vector_load %arg11[%get3A_305, %get3A_306, %get3A_307] {strides = array<i32>} : memref<2x128x128xf32, #tpu.memory_space<vmem>>, vector<16xf32>,
          %add3A_309 = arith.constant 64 : i32
          %add3A_310 = arith.addi %add3A_309, %add3A_169 : i32
          %get3A_311 = arith.index_cast %and3A_51 : i32 to index
          %get3A_312 = arith.index_cast %add3A_310 : i32 to index
          %get3A_313 = arith.constant 0 : index
          %get3A_314 = tpu.vector_load %arg10[%get3A_311, %get3A_312, %get3A_313] {strides = array<i32>} : memref<2x128x128xf32, #tpu.memory_space<vmem>>, vector<16xf32>,
          %add3A_315 = arith.constant 64 : i32
          %add3A_316 = arith.addi %add3A_315, %add3A_169 : i32
          %get3A_317 = arith.index_cast %and3A_51 : i32 to index
          %get3A_318 = arith.index_cast %add3A_316 : i32 to index
          %get3A_319 = arith.constant 0 : index
          %get3A_320 = tpu.vector_load %arg11[%get3A_317, %get3A_318, %get3A_319] {strides = array<i32>} : memref<2x128x128xf32, #tpu.memory_space<vmem>>, vector<16xf32>,
          %mul3A_321 = arith.mulf %get3A_304, %get3A_314 : vector<16xf32>
          %mul3A_322 = arith.mulf %get3A_308, %get3A_320 : vector<16xf32>
          %add3A_323 = arith.addf %mul3A_321, %mul3A_322 : vector<16xf32>
          %mul3A_324 = arith.mulf %unpack3A_224, %add3A_323 : vector<16xf32>
          %add3A_325 = arith.addf %broadcast_in_dim3A_182, %mul3A_324 : vector<16xf32>
          %mul3A_326 = arith.mulf %get3A_304, %get3A_320 : vector<16xf32>
          %mul3A_327 = arith.mulf %get3A_308, %get3A_314 : vector<16xf32>
          %sub3A_328 = arith.subf %mul3A_326, %mul3A_327 : vector<16xf32>
          %mul3A_329 = arith.mulf %unpack3A_226, %sub3A_328 : vector<16xf32>
          %add3A_330 = arith.addf %broadcast_in_dim3A_184, %mul3A_329 : vector<16xf32>
          %get3A_331 = arith.index_cast %and3A_51 : i32 to index
          %get3A_332 = arith.index_cast %add3A_172 : i32 to index
          %get3A_333 = arith.constant 0 : index
          %get3A_334 = tpu.vector_load %arg10[%get3A_331, %get3A_332, %get3A_333] {strides = array<i32>} : memref<2x128x128xf32, #tpu.memory_space<vmem>>, vector<16xf32>,
          %get3A_335 = arith.index_cast %and3A_51 : i32 to index
          %get3A_336 = arith.index_cast %add3A_172 : i32 to index
          %get3A_337 = arith.constant 0 : index
          %get3A_338 = tpu.vector_load %arg11[%get3A_335, %get3A_336, %get3A_337] {strides = array<i32>} : memref<2x128x128xf32, #tpu.memory_space<vmem>>, vector<16xf32>,
          %add3A_339 = arith.constant 64 : i32
          %add3A_340 = arith.addi %add3A_339, %add3A_172 : i32
          %get3A_341 = arith.index_cast %and3A_51 : i32 to index
          %get3A_342 = arith.index_cast %add3A_340 : i32 to index
          %get3A_343 = arith.constant 0 : index
          %get3A_344 = tpu.vector_load %arg10[%get3A_341, %get3A_342, %get3A_343] {strides = array<i32>} : memref<2x128x128xf32, #tpu.memory_space<vmem>>, vector<16xf32>,
          %add3A_345 = arith.constant 64 : i32
          %add3A_346 = arith.addi %add3A_345, %add3A_172 : i32
          %get3A_347 = arith.index_cast %and3A_51 : i32 to index
          %get3A_348 = arith.index_cast %add3A_346 : i32 to index
          %get3A_349 = arith.constant 0 : index
          %get3A_350 = tpu.vector_load %arg11[%get3A_347, %get3A_348, %get3A_349] {strides = array<i32>} : memref<2x128x128xf32, #tpu.memory_space<vmem>>, vector<16xf32>,
          %mul3A_351 = arith.mulf %get3A_334, %get3A_344 : vector<16xf32>
          %mul3A_352 = arith.mulf %get3A_338, %get3A_350 : vector<16xf32>
          %add3A_353 = arith.addf %mul3A_351, %mul3A_352 : vector<16xf32>
          %mul3A_354 = arith.mulf %unpack3A_238, %add3A_353 : vector<16xf32>
          %add3A_355 = arith.addf %broadcast_in_dim3A_186, %mul3A_354 : vector<16xf32>
          %mul3A_356 = arith.mulf %get3A_334, %get3A_350 : vector<16xf32>
          %mul3A_357 = arith.mulf %get3A_338, %get3A_344 : vector<16xf32>
          %sub3A_358 = arith.subf %mul3A_356, %mul3A_357 : vector<16xf32>
          %mul3A_359 = arith.mulf %unpack3A_240, %sub3A_358 : vector<16xf32>
          %add3A_360 = arith.addf %broadcast_in_dim3A_188, %mul3A_359 : vector<16xf32>
          %get3A_361 = arith.index_cast %and3A_51 : i32 to index
          %get3A_362 = arith.index_cast %add3A_163 : i32 to index
          %get3A_363 = arith.constant 16 : index
          %get3A_364 = tpu.vector_load %arg10[%get3A_361, %get3A_362, %get3A_363] {strides = array<i32>} : memref<2x128x128xf32, #tpu.memory_space<vmem>>, vector<16xf32>,
          %get3A_365 = arith.index_cast %and3A_51 : i32 to index
          %get3A_366 = arith.index_cast %add3A_163 : i32 to index
          %get3A_367 = arith.constant 16 : index
          %get3A_368 = tpu.vector_load %arg11[%get3A_365, %get3A_366, %get3A_367] {strides = array<i32>} : memref<2x128x128xf32, #tpu.memory_space<vmem>>, vector<16xf32>,
          %add3A_369 = arith.constant 64 : i32
          %add3A_370 = arith.addi %add3A_369, %add3A_163 : i32
          %get3A_371 = arith.index_cast %and3A_51 : i32 to index
          %get3A_372 = arith.index_cast %add3A_370 : i32 to index
          %get3A_373 = arith.constant 16 : index
          %get3A_374 = tpu.vector_load %arg10[%get3A_371, %get3A_372, %get3A_373] {strides = array<i32>} : memref<2x128x128xf32, #tpu.memory_space<vmem>>, vector<16xf32>,
          %add3A_375 = arith.constant 64 : i32
          %add3A_376 = arith.addi %add3A_375, %add3A_163 : i32
          %get3A_377 = arith.index_cast %and3A_51 : i32 to index
          %get3A_378 = arith.index_cast %add3A_376 : i32 to index
          %get3A_379 = arith.constant 16 : index
          %get3A_380 = tpu.vector_load %arg11[%get3A_377, %get3A_378, %get3A_379] {strides = array<i32>} : memref<2x128x128xf32, #tpu.memory_space<vmem>>, vector<16xf32>,
          %mul3A_381 = arith.mulf %get3A_364, %get3A_374 : vector<16xf32>
          %mul3A_382 = arith.mulf %get3A_368, %get3A_380 : vector<16xf32>
          %add3A_383 = arith.addf %mul3A_381, %mul3A_382 : vector<16xf32>
          %mul3A_384 = arith.mulf %unpack3A_197, %add3A_383 : vector<16xf32>
          %add3A_385 = arith.addf %add3A_266, %mul3A_384 : vector<16xf32>
          %mul3A_386 = arith.mulf %get3A_364, %get3A_380 : vector<16xf32>
          %mul3A_387 = arith.mulf %get3A_368, %get3A_374 : vector<16xf32>
          %sub3A_388 = arith.subf %mul3A_386, %mul3A_387 : vector<16xf32>
          %mul3A_389 = arith.mulf %unpack3A_199, %sub3A_388 : vector<16xf32>
          %add3A_390 = arith.addf %add3A_270, %mul3A_389 : vector<16xf32>
          %get3A_391 = arith.index_cast %and3A_51 : i32 to index
          %get3A_392 = arith.index_cast %add3A_166 : i32 to index
          %get3A_393 = arith.constant 16 : index
          %get3A_394 = tpu.vector_load %arg10[%get3A_391, %get3A_392, %get3A_393] {strides = array<i32>} : memref<2x128x128xf32, #tpu.memory_space<vmem>>, vector<16xf32>,
          %get3A_395 = arith.index_cast %and3A_51 : i32 to index
          %get3A_396 = arith.index_cast %add3A_166 : i32 to index
          %get3A_397 = arith.constant 16 : index
          %get3A_398 = tpu.vector_load %arg11[%get3A_395, %get3A_396, %get3A_397] {strides = array<i32>} : memref<2x128x128xf32, #tpu.memory_space<vmem>>, vector<16xf32>,
          %add3A_399 = arith.constant 64 : i32
          %add3A_400 = arith.addi %add3A_399, %add3A_166 : i32
          %get3A_401 = arith.index_cast %and3A_51 : i32 to index
          %get3A_402 = arith.index_cast %add3A_400 : i32 to index
          %get3A_403 = arith.constant 16 : index
          %get3A_404 = tpu.vector_load %arg10[%get3A_401, %get3A_402, %get3A_403] {strides = array<i32>} : memref<2x128x128xf32, #tpu.memory_space<vmem>>, vector<16xf32>,
          %add3A_405 = arith.constant 64 : i32
          %add3A_406 = arith.addi %add3A_405, %add3A_166 : i32
          %get3A_407 = arith.index_cast %and3A_51 : i32 to index
          %get3A_408 = arith.index_cast %add3A_406 : i32 to index
          %get3A_409 = arith.constant 16 : index
          %get3A_410 = tpu.vector_load %arg11[%get3A_407, %get3A_408, %get3A_409] {strides = array<i32>} : memref<2x128x128xf32, #tpu.memory_space<vmem>>, vector<16xf32>,
          %mul3A_411 = arith.mulf %get3A_394, %get3A_404 : vector<16xf32>
          %mul3A_412 = arith.mulf %get3A_398, %get3A_410 : vector<16xf32>
          %add3A_413 = arith.addf %mul3A_411, %mul3A_412 : vector<16xf32>
          %mul3A_414 = arith.mulf %unpack3A_211, %add3A_413 : vector<16xf32>
          %add3A_415 = arith.addf %add3A_295, %mul3A_414 : vector<16xf32>
          %mul3A_416 = arith.mulf %get3A_394, %get3A_410 : vector<16xf32>
          %mul3A_417 = arith.mulf %get3A_398, %get3A_404 : vector<16xf32>
          %sub3A_418 = arith.subf %mul3A_416, %mul3A_417 : vector<16xf32>
          %mul3A_419 = arith.mulf %unpack3A_213, %sub3A_418 : vector<16xf32>
          %add3A_420 = arith.addf %add3A_300, %mul3A_419 : vector<16xf32>
          %get3A_421 = arith.index_cast %and3A_51 : i32 to index
          %get3A_422 = arith.index_cast %add3A_169 : i32 to index
          %get3A_423 = arith.constant 16 : index
          %get3A_424 = tpu.vector_load %arg10[%get3A_421, %get3A_422, %get3A_423] {strides = array<i32>} : memref<2x128x128xf32, #tpu.memory_space<vmem>>, vector<16xf32>,
          %get3A_425 = arith.index_cast %and3A_51 : i32 to index
          %get3A_426 = arith.index_cast %add3A_169 : i32 to index
          %get3A_427 = arith.constant 16 : index
          %get3A_428 = tpu.vector_load %arg11[%get3A_425, %get3A_426, %get3A_427] {strides = array<i32>} : memref<2x128x128xf32, #tpu.memory_space<vmem>>, vector<16xf32>,
          %add3A_429 = arith.constant 64 : i32
          %add3A_430 = arith.addi %add3A_429, %add3A_169 : i32
          %get3A_431 = arith.index_cast %and3A_51 : i32 to index
          %get3A_432 = arith.index_cast %add3A_430 : i32 to index
          %get3A_433 = arith.constant 16 : index
          %get3A_434 = tpu.vector_load %arg10[%get3A_431, %get3A_432, %get3A_433] {strides = array<i32>} : memref<2x128x128xf32, #tpu.memory_space<vmem>>, vector<16xf32>,
          %add3A_435 = arith.constant 64 : i32
          %add3A_436 = arith.addi %add3A_435, %add3A_169 : i32
          %get3A_437 = arith.index_cast %and3A_51 : i32 to index
          %get3A_438 = arith.index_cast %add3A_436 : i32 to index
          %get3A_439 = arith.constant 16 : index
          %get3A_440 = tpu.vector_load %arg11[%get3A_437, %get3A_438, %get3A_439] {strides = array<i32>} : memref<2x128x128xf32, #tpu.memory_space<vmem>>, vector<16xf32>,
          %mul3A_441 = arith.mulf %get3A_424, %get3A_434 : vector<16xf32>
          %mul3A_442 = arith.mulf %get3A_428, %get3A_440 : vector<16xf32>
          %add3A_443 = arith.addf %mul3A_441, %mul3A_442 : vector<16xf32>
          %mul3A_444 = arith.mulf %unpack3A_225, %add3A_443 : vector<16xf32>
          %add3A_445 = arith.addf %add3A_325, %mul3A_444 : vector<16xf32>
          %mul3A_446 = arith.mulf %get3A_424, %get3A_440 : vector<16xf32>
          %mul3A_447 = arith.mulf %get3A_428, %get3A_434 : vector<16xf32>
          %sub3A_448 = arith.subf %mul3A_446, %mul3A_447 : vector<16xf32>
          %mul3A_449 = arith.mulf %unpack3A_227, %sub3A_448 : vector<16xf32>
          %add3A_450 = arith.addf %add3A_330, %mul3A_449 : vector<16xf32>
          %get3A_451 = arith.index_cast %and3A_51 : i32 to index
          %get3A_452 = arith.index_cast %add3A_172 : i32 to index
          %get3A_453 = arith.constant 16 : index
          %get3A_454 = tpu.vector_load %arg10[%get3A_451, %get3A_452, %get3A_453] {strides = array<i32>} : memref<2x128x128xf32, #tpu.memory_space<vmem>>, vector<16xf32>,
          %get3A_455 = arith.index_cast %and3A_51 : i32 to index
          %get3A_456 = arith.index_cast %add3A_172 : i32 to index
          %get3A_457 = arith.constant 16 : index
          %get3A_458 = tpu.vector_load %arg11[%get3A_455, %get3A_456, %get3A_457] {strides = array<i32>} : memref<2x128x128xf32, #tpu.memory_space<vmem>>, vector<16xf32>,
          %add3A_459 = arith.constant 64 : i32
          %add3A_460 = arith.addi %add3A_459, %add3A_172 : i32
          %get3A_461 = arith.index_cast %and3A_51 : i32 to index
          %get3A_462 = arith.index_cast %add3A_460 : i32 to index
          %get3A_463 = arith.constant 16 : index
          %get3A_464 = tpu.vector_load %arg10[%get3A_461, %get3A_462, %get3A_463] {strides = array<i32>} : memref<2x128x128xf32, #tpu.memory_space<vmem>>, vector<16xf32>,
          %add3A_465 = arith.constant 64 : i32
          %add3A_466 = arith.addi %add3A_465, %add3A_172 : i32
          %get3A_467 = arith.index_cast %and3A_51 : i32 to index
          %get3A_468 = arith.index_cast %add3A_466 : i32 to index
          %get3A_469 = arith.constant 16 : index
          %get3A_470 = tpu.vector_load %arg11[%get3A_467, %get3A_468, %get3A_469] {strides = array<i32>} : memref<2x128x128xf32, #tpu.memory_space<vmem>>, vector<16xf32>,
          %mul3A_471 = arith.mulf %get3A_454, %get3A_464 : vector<16xf32>
          %mul3A_472 = arith.mulf %get3A_458, %get3A_470 : vector<16xf32>
          %add3A_473 = arith.addf %mul3A_471, %mul3A_472 : vector<16xf32>
          %mul3A_474 = arith.mulf %unpack3A_239, %add3A_473 : vector<16xf32>
          %add3A_475 = arith.addf %add3A_355, %mul3A_474 : vector<16xf32>
          %mul3A_476 = arith.mulf %get3A_454, %get3A_470 : vector<16xf32>
          %mul3A_477 = arith.mulf %get3A_458, %get3A_464 : vector<16xf32>
          %sub3A_478 = arith.subf %mul3A_476, %mul3A_477 : vector<16xf32>
          %mul3A_479 = arith.mulf %unpack3A_241, %sub3A_478 : vector<16xf32>
          %add3A_480 = arith.addf %add3A_360, %mul3A_479 : vector<16xf32>
          %get3A_481 = arith.index_cast %and3A_51 : i32 to index
          %get3A_482 = arith.index_cast %add3A_163 : i32 to index
          %get3A_483 = arith.constant 16 : index
          %get3A_484 = tpu.vector_load %arg12[%get3A_481, %get3A_482, %get3A_483] {strides = array<i32>} : memref<2x64x128xi32, #tpu.memory_space<vmem>>, vector<16xi32>,
          %bitcast3A_485 = vector.bitcast %get3A_484 : vector<16xi32> to vector<32xbf16>
          %get3A_486 = arith.index_cast %and3A_51 : i32 to index
          %get3A_487 = arith.index_cast %add3A_163 : i32 to index
          %get3A_488 = arith.constant 80 : index
          %get3A_489 = tpu.vector_load %arg12[%get3A_486, %get3A_487, %get3A_488] {strides = array<i32>} : memref<2x64x128xi32, #tpu.memory_space<vmem>>, vector<16xi32>,
          %bitcast3A_490 = vector.bitcast %get3A_489 : vector<16xi32> to vector<32xbf16>
          %unpack3A_491 = tpu.unpack_subelements %bitcast3A_485, 0 {pack_format = #tpu.pack_format<interleaved>} : vector<32xbf16> -> vector<16xf32>
          %unpack3A_492 = tpu.unpack_subelements %bitcast3A_485, 1 {pack_format = #tpu.pack_format<interleaved>} : vector<32xbf16> -> vector<16xf32>
          %unpack3A_493 = tpu.unpack_subelements %bitcast3A_490, 0 {pack_format = #tpu.pack_format<interleaved>} : vector<32xbf16> -> vector<16xf32>
          %unpack3A_494 = tpu.unpack_subelements %bitcast3A_490, 1 {pack_format = #tpu.pack_format<interleaved>} : vector<32xbf16> -> vector<16xf32>
          %get3A_495 = arith.index_cast %and3A_51 : i32 to index
          %get3A_496 = arith.index_cast %add3A_166 : i32 to index
          %get3A_497 = arith.constant 16 : index
          %get3A_498 = tpu.vector_load %arg12[%get3A_495, %get3A_496, %get3A_497] {strides = array<i32>} : memref<2x64x128xi32, #tpu.memory_space<vmem>>, vector<16xi32>,
          %bitcast3A_499 = vector.bitcast %get3A_498 : vector<16xi32> to vector<32xbf16>
          %get3A_500 = arith.index_cast %and3A_51 : i32 to index
          %get3A_501 = arith.index_cast %add3A_166 : i32 to index
          %get3A_502 = arith.constant 80 : index
          %get3A_503 = tpu.vector_load %arg12[%get3A_500, %get3A_501, %get3A_502] {strides = array<i32>} : memref<2x64x128xi32, #tpu.memory_space<vmem>>, vector<16xi32>,
          %bitcast3A_504 = vector.bitcast %get3A_503 : vector<16xi32> to vector<32xbf16>
          %unpack3A_505 = tpu.unpack_subelements %bitcast3A_499, 0 {pack_format = #tpu.pack_format<interleaved>} : vector<32xbf16> -> vector<16xf32>
          %unpack3A_506 = tpu.unpack_subelements %bitcast3A_499, 1 {pack_format = #tpu.pack_format<interleaved>} : vector<32xbf16> -> vector<16xf32>
          %unpack3A_507 = tpu.unpack_subelements %bitcast3A_504, 0 {pack_format = #tpu.pack_format<interleaved>} : vector<32xbf16> -> vector<16xf32>
          %unpack3A_508 = tpu.unpack_subelements %bitcast3A_504, 1 {pack_format = #tpu.pack_format<interleaved>} : vector<32xbf16> -> vector<16xf32>
          %get3A_509 = arith.index_cast %and3A_51 : i32 to index
          %get3A_510 = arith.index_cast %add3A_169 : i32 to index
          %get3A_511 = arith.constant 16 : index
          %get3A_512 = tpu.vector_load %arg12[%get3A_509, %get3A_510, %get3A_511] {strides = array<i32>} : memref<2x64x128xi32, #tpu.memory_space<vmem>>, vector<16xi32>,
          %bitcast3A_513 = vector.bitcast %get3A_512 : vector<16xi32> to vector<32xbf16>
          %get3A_514 = arith.index_cast %and3A_51 : i32 to index
          %get3A_515 = arith.index_cast %add3A_169 : i32 to index
          %get3A_516 = arith.constant 80 : index
          %get3A_517 = tpu.vector_load %arg12[%get3A_514, %get3A_515, %get3A_516] {strides = array<i32>} : memref<2x64x128xi32, #tpu.memory_space<vmem>>, vector<16xi32>,
          %bitcast3A_518 = vector.bitcast %get3A_517 : vector<16xi32> to vector<32xbf16>
          %unpack3A_519 = tpu.unpack_subelements %bitcast3A_513, 0 {pack_format = #tpu.pack_format<interleaved>} : vector<32xbf16> -> vector<16xf32>
          %unpack3A_520 = tpu.unpack_subelements %bitcast3A_513, 1 {pack_format = #tpu.pack_format<interleaved>} : vector<32xbf16> -> vector<16xf32>
          %unpack3A_521 = tpu.unpack_subelements %bitcast3A_518, 0 {pack_format = #tpu.pack_format<interleaved>} : vector<32xbf16> -> vector<16xf32>
          %unpack3A_522 = tpu.unpack_subelements %bitcast3A_518, 1 {pack_format = #tpu.pack_format<interleaved>} : vector<32xbf16> -> vector<16xf32>
          %get3A_523 = arith.index_cast %and3A_51 : i32 to index
          %get3A_524 = arith.index_cast %add3A_172 : i32 to index
          %get3A_525 = arith.constant 16 : index
          %get3A_526 = tpu.vector_load %arg12[%get3A_523, %get3A_524, %get3A_525] {strides = array<i32>} : memref<2x64x128xi32, #tpu.memory_space<vmem>>, vector<16xi32>,
          %bitcast3A_527 = vector.bitcast %get3A_526 : vector<16xi32> to vector<32xbf16>
          %get3A_528 = arith.index_cast %and3A_51 : i32 to index
          %get3A_529 = arith.index_cast %add3A_172 : i32 to index
          %get3A_530 = arith.constant 80 : index
          %get3A_531 = tpu.vector_load %arg12[%get3A_528, %get3A_529, %get3A_530] {strides = array<i32>} : memref<2x64x128xi32, #tpu.memory_space<vmem>>, vector<16xi32>,
          %bitcast3A_532 = vector.bitcast %get3A_531 : vector<16xi32> to vector<32xbf16>
          %unpack3A_533 = tpu.unpack_subelements %bitcast3A_527, 0 {pack_format = #tpu.pack_format<interleaved>} : vector<32xbf16> -> vector<16xf32>
          %unpack3A_534 = tpu.unpack_subelements %bitcast3A_527, 1 {pack_format = #tpu.pack_format<interleaved>} : vector<32xbf16> -> vector<16xf32>
          %unpack3A_535 = tpu.unpack_subelements %bitcast3A_532, 0 {pack_format = #tpu.pack_format<interleaved>} : vector<32xbf16> -> vector<16xf32>
          %unpack3A_536 = tpu.unpack_subelements %bitcast3A_532, 1 {pack_format = #tpu.pack_format<interleaved>} : vector<32xbf16> -> vector<16xf32>
          %get3A_537 = arith.index_cast %and3A_51 : i32 to index
          %get3A_538 = arith.index_cast %add3A_163 : i32 to index
          %get3A_539 = arith.constant 32 : index
          %get3A_540 = tpu.vector_load %arg10[%get3A_537, %get3A_538, %get3A_539] {strides = array<i32>} : memref<2x128x128xf32, #tpu.memory_space<vmem>>, vector<16xf32>,
          %get3A_541 = arith.index_cast %and3A_51 : i32 to index
          %get3A_542 = arith.index_cast %add3A_163 : i32 to index
          %get3A_543 = arith.constant 32 : index
          %get3A_544 = tpu.vector_load %arg11[%get3A_541, %get3A_542, %get3A_543] {strides = array<i32>} : memref<2x128x128xf32, #tpu.memory_space<vmem>>, vector<16xf32>,
          %add3A_545 = arith.constant 64 : i32
          %add3A_546 = arith.addi %add3A_545, %add3A_163 : i32
          %get3A_547 = arith.index_cast %and3A_51 : i32 to index
          %get3A_548 = arith.index_cast %add3A_546 : i32 to index
          %get3A_549 = arith.constant 32 : index
          %get3A_550 = tpu.vector_load %arg10[%get3A_547, %get3A_548, %get3A_549] {strides = array<i32>} : memref<2x128x128xf32, #tpu.memory_space<vmem>>, vector<16xf32>,
          %add3A_551 = arith.constant 64 : i32
          %add3A_552 = arith.addi %add3A_551, %add3A_163 : i32
          %get3A_553 = arith.index_cast %and3A_51 : i32 to index
          %get3A_554 = arith.index_cast %add3A_552 : i32 to index
          %get3A_555 = arith.constant 32 : index
          %get3A_556 = tpu.vector_load %arg11[%get3A_553, %get3A_554, %get3A_555] {strides = array<i32>} : memref<2x128x128xf32, #tpu.memory_space<vmem>>, vector<16xf32>,
          %mul3A_557 = arith.mulf %get3A_540, %get3A_550 : vector<16xf32>
          %mul3A_558 = arith.mulf %get3A_544, %get3A_556 : vector<16xf32>
          %add3A_559 = arith.addf %mul3A_557, %mul3A_558 : vector<16xf32>
          %mul3A_560 = arith.mulf %unpack3A_491, %add3A_559 : vector<16xf32>
          %add3A_561 = arith.addf %add3A_385, %mul3A_560 : vector<16xf32>
          %mul3A_562 = arith.mulf %get3A_540, %get3A_556 : vector<16xf32>
          %mul3A_563 = arith.mulf %get3A_544, %get3A_550 : vector<16xf32>
          %sub3A_564 = arith.subf %mul3A_562, %mul3A_563 : vector<16xf32>
          %mul3A_565 = arith.mulf %unpack3A_493, %sub3A_564 : vector<16xf32>
          %add3A_566 = arith.addf %add3A_390, %mul3A_565 : vector<16xf32>
          %get3A_567 = arith.index_cast %and3A_51 : i32 to index
          %get3A_568 = arith.index_cast %add3A_166 : i32 to index
          %get3A_569 = arith.constant 32 : index
          %get3A_570 = tpu.vector_load %arg10[%get3A_567, %get3A_568, %get3A_569] {strides = array<i32>} : memref<2x128x128xf32, #tpu.memory_space<vmem>>, vector<16xf32>,
          %get3A_571 = arith.index_cast %and3A_51 : i32 to index
          %get3A_572 = arith.index_cast %add3A_166 : i32 to index
          %get3A_573 = arith.constant 32 : index
          %get3A_574 = tpu.vector_load %arg11[%get3A_571, %get3A_572, %get3A_573] {strides = array<i32>} : memref<2x128x128xf32, #tpu.memory_space<vmem>>, vector<16xf32>,
          %add3A_575 = arith.constant 64 : i32
          %add3A_576 = arith.addi %add3A_575, %add3A_166 : i32
          %get3A_577 = arith.index_cast %and3A_51 : i32 to index
          %get3A_578 = arith.index_cast %add3A_576 : i32 to index
          %get3A_579 = arith.constant 32 : index
          %get3A_580 = tpu.vector_load %arg10[%get3A_577, %get3A_578, %get3A_579] {strides = array<i32>} : memref<2x128x128xf32, #tpu.memory_space<vmem>>, vector<16xf32>,
          %add3A_581 = arith.constant 64 : i32
          %add3A_582 = arith.addi %add3A_581, %add3A_166 : i32
          %get3A_583 = arith.index_cast %and3A_51 : i32 to index
          %get3A_584 = arith.index_cast %add3A_582 : i32 to index
          %get3A_585 = arith.constant 32 : index
          %get3A_586 = tpu.vector_load %arg11[%get3A_583, %get3A_584, %get3A_585] {strides = array<i32>} : memref<2x128x128xf32, #tpu.memory_space<vmem>>, vector<16xf32>,
          %mul3A_587 = arith.mulf %get3A_570, %get3A_580 : vector<16xf32>
          %mul3A_588 = arith.mulf %get3A_574, %get3A_586 : vector<16xf32>
          %add3A_589 = arith.addf %mul3A_587, %mul3A_588 : vector<16xf32>
          %mul3A_590 = arith.mulf %unpack3A_505, %add3A_589 : vector<16xf32>
          %add3A_591 = arith.addf %add3A_415, %mul3A_590 : vector<16xf32>
          %mul3A_592 = arith.mulf %get3A_570, %get3A_586 : vector<16xf32>
          %mul3A_593 = arith.mulf %get3A_574, %get3A_580 : vector<16xf32>
          %sub3A_594 = arith.subf %mul3A_592, %mul3A_593 : vector<16xf32>
          %mul3A_595 = arith.mulf %unpack3A_507, %sub3A_594 : vector<16xf32>
          %add3A_596 = arith.addf %add3A_420, %mul3A_595 : vector<16xf32>
          %get3A_597 = arith.index_cast %and3A_51 : i32 to index
          %get3A_598 = arith.index_cast %add3A_169 : i32 to index
          %get3A_599 = arith.constant 32 : index
          %get3A_600 = tpu.vector_load %arg10[%get3A_597, %get3A_598, %get3A_599] {strides = array<i32>} : memref<2x128x128xf32, #tpu.memory_space<vmem>>, vector<16xf32>,
          %get3A_601 = arith.index_cast %and3A_51 : i32 to index
          %get3A_602 = arith.index_cast %add3A_169 : i32 to index
          %get3A_603 = arith.constant 32 : index
          %get3A_604 = tpu.vector_load %arg11[%get3A_601, %get3A_602, %get3A_603] {strides = array<i32>} : memref<2x128x128xf32, #tpu.memory_space<vmem>>, vector<16xf32>,
          %add3A_605 = arith.constant 64 : i32
          %add3A_606 = arith.addi %add3A_605, %add3A_169 : i32
          %get3A_607 = arith.index_cast %and3A_51 : i32 to index
          %get3A_608 = arith.index_cast %add3A_606 : i32 to index
          %get3A_609 = arith.constant 32 : index
          %get3A_610 = tpu.vector_load %arg10[%get3A_607, %get3A_608, %get3A_609] {strides = array<i32>} : memref<2x128x128xf32, #tpu.memory_space<vmem>>, vector<16xf32>,
          %add3A_611 = arith.constant 64 : i32
          %add3A_612 = arith.addi %add3A_611, %add3A_169 : i32
          %get3A_613 = arith.index_cast %and3A_51 : i32 to index
          %get3A_614 = arith.index_cast %add3A_612 : i32 to index
          %get3A_615 = arith.constant 32 : index
          %get3A_616 = tpu.vector_load %arg11[%get3A_613, %get3A_614, %get3A_615] {strides = array<i32>} : memref<2x128x128xf32, #tpu.memory_space<vmem>>, vector<16xf32>,
          %mul3A_617 = arith.mulf %get3A_600, %get3A_610 : vector<16xf32>
          %mul3A_618 = arith.mulf %get3A_604, %get3A_616 : vector<16xf32>
          %add3A_619 = arith.addf %mul3A_617, %mul3A_618 : vector<16xf32>
          %mul3A_620 = arith.mulf %unpack3A_519, %add3A_619 : vector<16xf32>
          %add3A_621 = arith.addf %add3A_445, %mul3A_620 : vector<16xf32>
          %mul3A_622 = arith.mulf %get3A_600, %get3A_616 : vector<16xf32>
          %mul3A_623 = arith.mulf %get3A_604, %get3A_610 : vector<16xf32>
          %sub3A_624 = arith.subf %mul3A_622, %mul3A_623 : vector<16xf32>
          %mul3A_625 = arith.mulf %unpack3A_521, %sub3A_624 : vector<16xf32>
          %add3A_626 = arith.addf %add3A_450, %mul3A_625 : vector<16xf32>
          %get3A_627 = arith.index_cast %and3A_51 : i32 to index
          %get3A_628 = arith.index_cast %add3A_172 : i32 to index
          %get3A_629 = arith.constant 32 : index
          %get3A_630 = tpu.vector_load %arg10[%get3A_627, %get3A_628, %get3A_629] {strides = array<i32>} : memref<2x128x128xf32, #tpu.memory_space<vmem>>, vector<16xf32>,
          %get3A_631 = arith.index_cast %and3A_51 : i32 to index
          %get3A_632 = arith.index_cast %add3A_172 : i32 to index
          %get3A_633 = arith.constant 32 : index
          %get3A_634 = tpu.vector_load %arg11[%get3A_631, %get3A_632, %get3A_633] {strides = array<i32>} : memref<2x128x128xf32, #tpu.memory_space<vmem>>, vector<16xf32>,
          %add3A_635 = arith.constant 64 : i32
          %add3A_636 = arith.addi %add3A_635, %add3A_172 : i32
          %get3A_637 = arith.index_cast %and3A_51 : i32 to index
          %get3A_638 = arith.index_cast %add3A_636 : i32 to index
          %get3A_639 = arith.constant 32 : index
          %get3A_640 = tpu.vector_load %arg10[%get3A_637, %get3A_638, %get3A_639] {strides = array<i32>} : memref<2x128x128xf32, #tpu.memory_space<vmem>>, vector<16xf32>,
          %add3A_641 = arith.constant 64 : i32
          %add3A_642 = arith.addi %add3A_641, %add3A_172 : i32
          %get3A_643 = arith.index_cast %and3A_51 : i32 to index
          %get3A_644 = arith.index_cast %add3A_642 : i32 to index
          %get3A_645 = arith.constant 32 : index
          %get3A_646 = tpu.vector_load %arg11[%get3A_643, %get3A_644, %get3A_645] {strides = array<i32>} : memref<2x128x128xf32, #tpu.memory_space<vmem>>, vector<16xf32>,
          %mul3A_647 = arith.mulf %get3A_630, %get3A_640 : vector<16xf32>
          %mul3A_648 = arith.mulf %get3A_634, %get3A_646 : vector<16xf32>
          %add3A_649 = arith.addf %mul3A_647, %mul3A_648 : vector<16xf32>
          %mul3A_650 = arith.mulf %unpack3A_533, %add3A_649 : vector<16xf32>
          %add3A_651 = arith.addf %add3A_475, %mul3A_650 : vector<16xf32>
          %mul3A_652 = arith.mulf %get3A_630, %get3A_646 : vector<16xf32>
          %mul3A_653 = arith.mulf %get3A_634, %get3A_640 : vector<16xf32>
          %sub3A_654 = arith.subf %mul3A_652, %mul3A_653 : vector<16xf32>
          %mul3A_655 = arith.mulf %unpack3A_535, %sub3A_654 : vector<16xf32>
          %add3A_656 = arith.addf %add3A_480, %mul3A_655 : vector<16xf32>
          %get3A_657 = arith.index_cast %and3A_51 : i32 to index
          %get3A_658 = arith.index_cast %add3A_163 : i32 to index
          %get3A_659 = arith.constant 48 : index
          %get3A_660 = tpu.vector_load %arg10[%get3A_657, %get3A_658, %get3A_659] {strides = array<i32>} : memref<2x128x128xf32, #tpu.memory_space<vmem>>, vector<16xf32>,
          %get3A_661 = arith.index_cast %and3A_51 : i32 to index
          %get3A_662 = arith.index_cast %add3A_163 : i32 to index
          %get3A_663 = arith.constant 48 : index
          %get3A_664 = tpu.vector_load %arg11[%get3A_661, %get3A_662, %get3A_663] {strides = array<i32>} : memref<2x128x128xf32, #tpu.memory_space<vmem>>, vector<16xf32>,
          %add3A_665 = arith.constant 64 : i32
          %add3A_666 = arith.addi %add3A_665, %add3A_163 : i32
          %get3A_667 = arith.index_cast %and3A_51 : i32 to index
          %get3A_668 = arith.index_cast %add3A_666 : i32 to index
          %get3A_669 = arith.constant 48 : index
          %get3A_670 = tpu.vector_load %arg10[%get3A_667, %get3A_668, %get3A_669] {strides = array<i32>} : memref<2x128x128xf32, #tpu.memory_space<vmem>>, vector<16xf32>,
          %add3A_671 = arith.constant 64 : i32
          %add3A_672 = arith.addi %add3A_671, %add3A_163 : i32
          %get3A_673 = arith.index_cast %and3A_51 : i32 to index
          %get3A_674 = arith.index_cast %add3A_672 : i32 to index
          %get3A_675 = arith.constant 48 : index
          %get3A_676 = tpu.vector_load %arg11[%get3A_673, %get3A_674, %get3A_675] {strides = array<i32>} : memref<2x128x128xf32, #tpu.memory_space<vmem>>, vector<16xf32>,
          %mul3A_677 = arith.mulf %get3A_660, %get3A_670 : vector<16xf32>
          %mul3A_678 = arith.mulf %get3A_664, %get3A_676 : vector<16xf32>
          %add3A_679 = arith.addf %mul3A_677, %mul3A_678 : vector<16xf32>
          %mul3A_680 = arith.mulf %unpack3A_492, %add3A_679 : vector<16xf32>
          %add3A_681 = arith.addf %add3A_561, %mul3A_680 : vector<16xf32>
          %mul3A_682 = arith.mulf %get3A_660, %get3A_676 : vector<16xf32>
          %mul3A_683 = arith.mulf %get3A_664, %get3A_670 : vector<16xf32>
          %sub3A_684 = arith.subf %mul3A_682, %mul3A_683 : vector<16xf32>
          %mul3A_685 = arith.mulf %unpack3A_494, %sub3A_684 : vector<16xf32>
          %add3A_686 = arith.addf %add3A_566, %mul3A_685 : vector<16xf32>
          %get3A_687 = arith.index_cast %and3A_51 : i32 to index
          %get3A_688 = arith.index_cast %add3A_166 : i32 to index
          %get3A_689 = arith.constant 48 : index
          %get3A_690 = tpu.vector_load %arg10[%get3A_687, %get3A_688, %get3A_689] {strides = array<i32>} : memref<2x128x128xf32, #tpu.memory_space<vmem>>, vector<16xf32>,
          %get3A_691 = arith.index_cast %and3A_51 : i32 to index
          %get3A_692 = arith.index_cast %add3A_166 : i32 to index
          %get3A_693 = arith.constant 48 : index
          %get3A_694 = tpu.vector_load %arg11[%get3A_691, %get3A_692, %get3A_693] {strides = array<i32>} : memref<2x128x128xf32, #tpu.memory_space<vmem>>, vector<16xf32>,
          %add3A_695 = arith.constant 64 : i32
          %add3A_696 = arith.addi %add3A_695, %add3A_166 : i32
          %get3A_697 = arith.index_cast %and3A_51 : i32 to index
          %get3A_698 = arith.index_cast %add3A_696 : i32 to index
          %get3A_699 = arith.constant 48 : index
          %get3A_700 = tpu.vector_load %arg10[%get3A_697, %get3A_698, %get3A_699] {strides = array<i32>} : memref<2x128x128xf32, #tpu.memory_space<vmem>>, vector<16xf32>,
          %add3A_701 = arith.constant 64 : i32
          %add3A_702 = arith.addi %add3A_701, %add3A_166 : i32
          %get3A_703 = arith.index_cast %and3A_51 : i32 to index
          %get3A_704 = arith.index_cast %add3A_702 : i32 to index
          %get3A_705 = arith.constant 48 : index
          %get3A_706 = tpu.vector_load %arg11[%get3A_703, %get3A_704, %get3A_705] {strides = array<i32>} : memref<2x128x128xf32, #tpu.memory_space<vmem>>, vector<16xf32>,
          %mul3A_707 = arith.mulf %get3A_690, %get3A_700 : vector<16xf32>
          %mul3A_708 = arith.mulf %get3A_694, %get3A_706 : vector<16xf32>
          %add3A_709 = arith.addf %mul3A_707, %mul3A_708 : vector<16xf32>
          %mul3A_710 = arith.mulf %unpack3A_506, %add3A_709 : vector<16xf32>
          %add3A_711 = arith.addf %add3A_591, %mul3A_710 : vector<16xf32>
          %mul3A_712 = arith.mulf %get3A_690, %get3A_706 : vector<16xf32>
          %mul3A_713 = arith.mulf %get3A_694, %get3A_700 : vector<16xf32>
          %sub3A_714 = arith.subf %mul3A_712, %mul3A_713 : vector<16xf32>
          %mul3A_715 = arith.mulf %unpack3A_508, %sub3A_714 : vector<16xf32>
          %add3A_716 = arith.addf %add3A_596, %mul3A_715 : vector<16xf32>
          %get3A_717 = arith.index_cast %and3A_51 : i32 to index
          %get3A_718 = arith.index_cast %add3A_169 : i32 to index
          %get3A_719 = arith.constant 48 : index
          %get3A_720 = tpu.vector_load %arg10[%get3A_717, %get3A_718, %get3A_719] {strides = array<i32>} : memref<2x128x128xf32, #tpu.memory_space<vmem>>, vector<16xf32>,
          %get3A_721 = arith.index_cast %and3A_51 : i32 to index
          %get3A_722 = arith.index_cast %add3A_169 : i32 to index
          %get3A_723 = arith.constant 48 : index
          %get3A_724 = tpu.vector_load %arg11[%get3A_721, %get3A_722, %get3A_723] {strides = array<i32>} : memref<2x128x128xf32, #tpu.memory_space<vmem>>, vector<16xf32>,
          %add3A_725 = arith.constant 64 : i32
          %add3A_726 = arith.addi %add3A_725, %add3A_169 : i32
          %get3A_727 = arith.index_cast %and3A_51 : i32 to index
          %get3A_728 = arith.index_cast %add3A_726 : i32 to index
          %get3A_729 = arith.constant 48 : index
          %get3A_730 = tpu.vector_load %arg10[%get3A_727, %get3A_728, %get3A_729] {strides = array<i32>} : memref<2x128x128xf32, #tpu.memory_space<vmem>>, vector<16xf32>,
          %add3A_731 = arith.constant 64 : i32
          %add3A_732 = arith.addi %add3A_731, %add3A_169 : i32
          %get3A_733 = arith.index_cast %and3A_51 : i32 to index
          %get3A_734 = arith.index_cast %add3A_732 : i32 to index
          %get3A_735 = arith.constant 48 : index
          %get3A_736 = tpu.vector_load %arg11[%get3A_733, %get3A_734, %get3A_735] {strides = array<i32>} : memref<2x128x128xf32, #tpu.memory_space<vmem>>, vector<16xf32>,
          %mul3A_737 = arith.mulf %get3A_720, %get3A_730 : vector<16xf32>
          %mul3A_738 = arith.mulf %get3A_724, %get3A_736 : vector<16xf32>
          %add3A_739 = arith.addf %mul3A_737, %mul3A_738 : vector<16xf32>
          %mul3A_740 = arith.mulf %unpack3A_520, %add3A_739 : vector<16xf32>
          %add3A_741 = arith.addf %add3A_621, %mul3A_740 : vector<16xf32>
          %mul3A_742 = arith.mulf %get3A_720, %get3A_736 : vector<16xf32>
          %mul3A_743 = arith.mulf %get3A_724, %get3A_730 : vector<16xf32>
          %sub3A_744 = arith.subf %mul3A_742, %mul3A_743 : vector<16xf32>
          %mul3A_745 = arith.mulf %unpack3A_522, %sub3A_744 : vector<16xf32>
          %add3A_746 = arith.addf %add3A_626, %mul3A_745 : vector<16xf32>
          %get3A_747 = arith.index_cast %and3A_51 : i32 to index
          %get3A_748 = arith.index_cast %add3A_172 : i32 to index
          %get3A_749 = arith.constant 48 : index
          %get3A_750 = tpu.vector_load %arg10[%get3A_747, %get3A_748, %get3A_749] {strides = array<i32>} : memref<2x128x128xf32, #tpu.memory_space<vmem>>, vector<16xf32>,
          %get3A_751 = arith.index_cast %and3A_51 : i32 to index
          %get3A_752 = arith.index_cast %add3A_172 : i32 to index
          %get3A_753 = arith.constant 48 : index
          %get3A_754 = tpu.vector_load %arg11[%get3A_751, %get3A_752, %get3A_753] {strides = array<i32>} : memref<2x128x128xf32, #tpu.memory_space<vmem>>, vector<16xf32>,
          %add3A_755 = arith.constant 64 : i32
          %add3A_756 = arith.addi %add3A_755, %add3A_172 : i32
          %get3A_757 = arith.index_cast %and3A_51 : i32 to index
          %get3A_758 = arith.index_cast %add3A_756 : i32 to index
          %get3A_759 = arith.constant 48 : index
          %get3A_760 = tpu.vector_load %arg10[%get3A_757, %get3A_758, %get3A_759] {strides = array<i32>} : memref<2x128x128xf32, #tpu.memory_space<vmem>>, vector<16xf32>,
          %add3A_761 = arith.constant 64 : i32
          %add3A_762 = arith.addi %add3A_761, %add3A_172 : i32
          %get3A_763 = arith.index_cast %and3A_51 : i32 to index
          %get3A_764 = arith.index_cast %add3A_762 : i32 to index
          %get3A_765 = arith.constant 48 : index
          %get3A_766 = tpu.vector_load %arg11[%get3A_763, %get3A_764, %get3A_765] {strides = array<i32>} : memref<2x128x128xf32, #tpu.memory_space<vmem>>, vector<16xf32>,
          %mul3A_767 = arith.mulf %get3A_750, %get3A_760 : vector<16xf32>
          %mul3A_768 = arith.mulf %get3A_754, %get3A_766 : vector<16xf32>
          %add3A_769 = arith.addf %mul3A_767, %mul3A_768 : vector<16xf32>
          %mul3A_770 = arith.mulf %unpack3A_534, %add3A_769 : vector<16xf32>
          %add3A_771 = arith.addf %add3A_651, %mul3A_770 : vector<16xf32>
          %mul3A_772 = arith.mulf %get3A_750, %get3A_766 : vector<16xf32>
          %mul3A_773 = arith.mulf %get3A_754, %get3A_760 : vector<16xf32>
          %sub3A_774 = arith.subf %mul3A_772, %mul3A_773 : vector<16xf32>
          %mul3A_775 = arith.mulf %unpack3A_536, %sub3A_774 : vector<16xf32>
          %add3A_776 = arith.addf %add3A_656, %mul3A_775 : vector<16xf32>
          %get3A_777 = arith.index_cast %and3A_51 : i32 to index
          %get3A_778 = arith.index_cast %add3A_163 : i32 to index
          %get3A_779 = arith.constant 32 : index
          %get3A_780 = tpu.vector_load %arg12[%get3A_777, %get3A_778, %get3A_779] {strides = array<i32>} : memref<2x64x128xi32, #tpu.memory_space<vmem>>, vector<16xi32>,
          %bitcast3A_781 = vector.bitcast %get3A_780 : vector<16xi32> to vector<32xbf16>
          %get3A_782 = arith.index_cast %and3A_51 : i32 to index
          %get3A_783 = arith.index_cast %add3A_163 : i32 to index
          %get3A_784 = arith.constant 96 : index
          %get3A_785 = tpu.vector_load %arg12[%get3A_782, %get3A_783, %get3A_784] {strides = array<i32>} : memref<2x64x128xi32, #tpu.memory_space<vmem>>, vector<16xi32>,
          %bitcast3A_786 = vector.bitcast %get3A_785 : vector<16xi32> to vector<32xbf16>
          %unpack3A_787 = tpu.unpack_subelements %bitcast3A_781, 0 {pack_format = #tpu.pack_format<interleaved>} : vector<32xbf16> -> vector<16xf32>
          %unpack3A_788 = tpu.unpack_subelements %bitcast3A_781, 1 {pack_format = #tpu.pack_format<interleaved>} : vector<32xbf16> -> vector<16xf32>
          %unpack3A_789 = tpu.unpack_subelements %bitcast3A_786, 0 {pack_format = #tpu.pack_format<interleaved>} : vector<32xbf16> -> vector<16xf32>
          %unpack3A_790 = tpu.unpack_subelements %bitcast3A_786, 1 {pack_format = #tpu.pack_format<interleaved>} : vector<32xbf16> -> vector<16xf32>
          %get3A_791 = arith.index_cast %and3A_51 : i32 to index
          %get3A_792 = arith.index_cast %add3A_166 : i32 to index
          %get3A_793 = arith.constant 32 : index
          %get3A_794 = tpu.vector_load %arg12[%get3A_791, %get3A_792, %get3A_793] {strides = array<i32>} : memref<2x64x128xi32, #tpu.memory_space<vmem>>, vector<16xi32>,
          %bitcast3A_795 = vector.bitcast %get3A_794 : vector<16xi32> to vector<32xbf16>
          %get3A_796 = arith.index_cast %and3A_51 : i32 to index
          %get3A_797 = arith.index_cast %add3A_166 : i32 to index
          %get3A_798 = arith.constant 96 : index
          %get3A_799 = tpu.vector_load %arg12[%get3A_796, %get3A_797, %get3A_798] {strides = array<i32>} : memref<2x64x128xi32, #tpu.memory_space<vmem>>, vector<16xi32>,
          %bitcast3A_800 = vector.bitcast %get3A_799 : vector<16xi32> to vector<32xbf16>
          %unpack3A_801 = tpu.unpack_subelements %bitcast3A_795, 0 {pack_format = #tpu.pack_format<interleaved>} : vector<32xbf16> -> vector<16xf32>
          %unpack3A_802 = tpu.unpack_subelements %bitcast3A_795, 1 {pack_format = #tpu.pack_format<interleaved>} : vector<32xbf16> -> vector<16xf32>
          %unpack3A_803 = tpu.unpack_subelements %bitcast3A_800, 0 {pack_format = #tpu.pack_format<interleaved>} : vector<32xbf16> -> vector<16xf32>
          %unpack3A_804 = tpu.unpack_subelements %bitcast3A_800, 1 {pack_format = #tpu.pack_format<interleaved>} : vector<32xbf16> -> vector<16xf32>
          %get3A_805 = arith.index_cast %and3A_51 : i32 to index
          %get3A_806 = arith.index_cast %add3A_169 : i32 to index
          %get3A_807 = arith.constant 32 : index
          %get3A_808 = tpu.vector_load %arg12[%get3A_805, %get3A_806, %get3A_807] {strides = array<i32>} : memref<2x64x128xi32, #tpu.memory_space<vmem>>, vector<16xi32>,
          %bitcast3A_809 = vector.bitcast %get3A_808 : vector<16xi32> to vector<32xbf16>
          %get3A_810 = arith.index_cast %and3A_51 : i32 to index
          %get3A_811 = arith.index_cast %add3A_169 : i32 to index
          %get3A_812 = arith.constant 96 : index
          %get3A_813 = tpu.vector_load %arg12[%get3A_810, %get3A_811, %get3A_812] {strides = array<i32>} : memref<2x64x128xi32, #tpu.memory_space<vmem>>, vector<16xi32>,
          %bitcast3A_814 = vector.bitcast %get3A_813 : vector<16xi32> to vector<32xbf16>
          %unpack3A_815 = tpu.unpack_subelements %bitcast3A_809, 0 {pack_format = #tpu.pack_format<interleaved>} : vector<32xbf16> -> vector<16xf32>
          %unpack3A_816 = tpu.unpack_subelements %bitcast3A_809, 1 {pack_format = #tpu.pack_format<interleaved>} : vector<32xbf16> -> vector<16xf32>
          %unpack3A_817 = tpu.unpack_subelements %bitcast3A_814, 0 {pack_format = #tpu.pack_format<interleaved>} : vector<32xbf16> -> vector<16xf32>
          %unpack3A_818 = tpu.unpack_subelements %bitcast3A_814, 1 {pack_format = #tpu.pack_format<interleaved>} : vector<32xbf16> -> vector<16xf32>
          %get3A_819 = arith.index_cast %and3A_51 : i32 to index
          %get3A_820 = arith.index_cast %add3A_172 : i32 to index
          %get3A_821 = arith.constant 32 : index
          %get3A_822 = tpu.vector_load %arg12[%get3A_819, %get3A_820, %get3A_821] {strides = array<i32>} : memref<2x64x128xi32, #tpu.memory_space<vmem>>, vector<16xi32>,
          %bitcast3A_823 = vector.bitcast %get3A_822 : vector<16xi32> to vector<32xbf16>
          %get3A_824 = arith.index_cast %and3A_51 : i32 to index
          %get3A_825 = arith.index_cast %add3A_172 : i32 to index
          %get3A_826 = arith.constant 96 : index
          %get3A_827 = tpu.vector_load %arg12[%get3A_824, %get3A_825, %get3A_826] {strides = array<i32>} : memref<2x64x128xi32, #tpu.memory_space<vmem>>, vector<16xi32>,
          %bitcast3A_828 = vector.bitcast %get3A_827 : vector<16xi32> to vector<32xbf16>
          %unpack3A_829 = tpu.unpack_subelements %bitcast3A_823, 0 {pack_format = #tpu.pack_format<interleaved>} : vector<32xbf16> -> vector<16xf32>
          %unpack3A_830 = tpu.unpack_subelements %bitcast3A_823, 1 {pack_format = #tpu.pack_format<interleaved>} : vector<32xbf16> -> vector<16xf32>
          %unpack3A_831 = tpu.unpack_subelements %bitcast3A_828, 0 {pack_format = #tpu.pack_format<interleaved>} : vector<32xbf16> -> vector<16xf32>
          %unpack3A_832 = tpu.unpack_subelements %bitcast3A_828, 1 {pack_format = #tpu.pack_format<interleaved>} : vector<32xbf16> -> vector<16xf32>
          %get3A_833 = arith.index_cast %and3A_51 : i32 to index
          %get3A_834 = arith.index_cast %add3A_163 : i32 to index
          %get3A_835 = arith.constant 64 : index
          %get3A_836 = tpu.vector_load %arg10[%get3A_833, %get3A_834, %get3A_835] {strides = array<i32>} : memref<2x128x128xf32, #tpu.memory_space<vmem>>, vector<16xf32>,
          %get3A_837 = arith.index_cast %and3A_51 : i32 to index
          %get3A_838 = arith.index_cast %add3A_163 : i32 to index
          %get3A_839 = arith.constant 64 : index
          %get3A_840 = tpu.vector_load %arg11[%get3A_837, %get3A_838, %get3A_839] {strides = array<i32>} : memref<2x128x128xf32, #tpu.memory_space<vmem>>, vector<16xf32>,
          %add3A_841 = arith.constant 64 : i32
          %add3A_842 = arith.addi %add3A_841, %add3A_163 : i32
          %get3A_843 = arith.index_cast %and3A_51 : i32 to index
          %get3A_844 = arith.index_cast %add3A_842 : i32 to index
          %get3A_845 = arith.constant 64 : index
          %get3A_846 = tpu.vector_load %arg10[%get3A_843, %get3A_844, %get3A_845] {strides = array<i32>} : memref<2x128x128xf32, #tpu.memory_space<vmem>>, vector<16xf32>,
          %add3A_847 = arith.constant 64 : i32
          %add3A_848 = arith.addi %add3A_847, %add3A_163 : i32
          %get3A_849 = arith.index_cast %and3A_51 : i32 to index
          %get3A_850 = arith.index_cast %add3A_848 : i32 to index
          %get3A_851 = arith.constant 64 : index
          %get3A_852 = tpu.vector_load %arg11[%get3A_849, %get3A_850, %get3A_851] {strides = array<i32>} : memref<2x128x128xf32, #tpu.memory_space<vmem>>, vector<16xf32>,
          %mul3A_853 = arith.mulf %get3A_836, %get3A_846 : vector<16xf32>
          %mul3A_854 = arith.mulf %get3A_840, %get3A_852 : vector<16xf32>
          %add3A_855 = arith.addf %mul3A_853, %mul3A_854 : vector<16xf32>
          %mul3A_856 = arith.mulf %unpack3A_787, %add3A_855 : vector<16xf32>
          %add3A_857 = arith.addf %add3A_681, %mul3A_856 : vector<16xf32>
          %mul3A_858 = arith.mulf %get3A_836, %get3A_852 : vector<16xf32>
          %mul3A_859 = arith.mulf %get3A_840, %get3A_846 : vector<16xf32>
          %sub3A_860 = arith.subf %mul3A_858, %mul3A_859 : vector<16xf32>
          %mul3A_861 = arith.mulf %unpack3A_789, %sub3A_860 : vector<16xf32>
          %add3A_862 = arith.addf %add3A_686, %mul3A_861 : vector<16xf32>
          %get3A_863 = arith.index_cast %and3A_51 : i32 to index
          %get3A_864 = arith.index_cast %add3A_166 : i32 to index
          %get3A_865 = arith.constant 64 : index
          %get3A_866 = tpu.vector_load %arg10[%get3A_863, %get3A_864, %get3A_865] {strides = array<i32>} : memref<2x128x128xf32, #tpu.memory_space<vmem>>, vector<16xf32>,
          %get3A_867 = arith.index_cast %and3A_51 : i32 to index
          %get3A_868 = arith.index_cast %add3A_166 : i32 to index
          %get3A_869 = arith.constant 64 : index
          %get3A_870 = tpu.vector_load %arg11[%get3A_867, %get3A_868, %get3A_869] {strides = array<i32>} : memref<2x128x128xf32, #tpu.memory_space<vmem>>, vector<16xf32>,
          %add3A_871 = arith.constant 64 : i32
          %add3A_872 = arith.addi %add3A_871, %add3A_166 : i32
          %get3A_873 = arith.index_cast %and3A_51 : i32 to index
          %get3A_874 = arith.index_cast %add3A_872 : i32 to index
          %get3A_875 = arith.constant 64 : index
          %get3A_876 = tpu.vector_load %arg10[%get3A_873, %get3A_874, %get3A_875] {strides = array<i32>} : memref<2x128x128xf32, #tpu.memory_space<vmem>>, vector<16xf32>,
          %add3A_877 = arith.constant 64 : i32
          %add3A_878 = arith.addi %add3A_877, %add3A_166 : i32
          %get3A_879 = arith.index_cast %and3A_51 : i32 to index
          %get3A_880 = arith.index_cast %add3A_878 : i32 to index
          %get3A_881 = arith.constant 64 : index
          %get3A_882 = tpu.vector_load %arg11[%get3A_879, %get3A_880, %get3A_881] {strides = array<i32>} : memref<2x128x128xf32, #tpu.memory_space<vmem>>, vector<16xf32>,
          %mul3A_883 = arith.mulf %get3A_866, %get3A_876 : vector<16xf32>
          %mul3A_884 = arith.mulf %get3A_870, %get3A_882 : vector<16xf32>
          %add3A_885 = arith.addf %mul3A_883, %mul3A_884 : vector<16xf32>
          %mul3A_886 = arith.mulf %unpack3A_801, %add3A_885 : vector<16xf32>
          %add3A_887 = arith.addf %add3A_711, %mul3A_886 : vector<16xf32>
          %mul3A_888 = arith.mulf %get3A_866, %get3A_882 : vector<16xf32>
          %mul3A_889 = arith.mulf %get3A_870, %get3A_876 : vector<16xf32>
          %sub3A_890 = arith.subf %mul3A_888, %mul3A_889 : vector<16xf32>
          %mul3A_891 = arith.mulf %unpack3A_803, %sub3A_890 : vector<16xf32>
          %add3A_892 = arith.addf %add3A_716, %mul3A_891 : vector<16xf32>
          %get3A_893 = arith.index_cast %and3A_51 : i32 to index
          %get3A_894 = arith.index_cast %add3A_169 : i32 to index
          %get3A_895 = arith.constant 64 : index
          %get3A_896 = tpu.vector_load %arg10[%get3A_893, %get3A_894, %get3A_895] {strides = array<i32>} : memref<2x128x128xf32, #tpu.memory_space<vmem>>, vector<16xf32>,
          %get3A_897 = arith.index_cast %and3A_51 : i32 to index
          %get3A_898 = arith.index_cast %add3A_169 : i32 to index
          %get3A_899 = arith.constant 64 : index
          %get3A_900 = tpu.vector_load %arg11[%get3A_897, %get3A_898, %get3A_899] {strides = array<i32>} : memref<2x128x128xf32, #tpu.memory_space<vmem>>, vector<16xf32>,
          %add3A_901 = arith.constant 64 : i32
          %add3A_902 = arith.addi %add3A_901, %add3A_169 : i32
          %get3A_903 = arith.index_cast %and3A_51 : i32 to index
          %get3A_904 = arith.index_cast %add3A_902 : i32 to index
          %get3A_905 = arith.constant 64 : index
          %get3A_906 = tpu.vector_load %arg10[%get3A_903, %get3A_904, %get3A_905] {strides = array<i32>} : memref<2x128x128xf32, #tpu.memory_space<vmem>>, vector<16xf32>,
          %add3A_907 = arith.constant 64 : i32
          %add3A_908 = arith.addi %add3A_907, %add3A_169 : i32
          %get3A_909 = arith.index_cast %and3A_51 : i32 to index
          %get3A_910 = arith.index_cast %add3A_908 : i32 to index
          %get3A_911 = arith.constant 64 : index
          %get3A_912 = tpu.vector_load %arg11[%get3A_909, %get3A_910, %get3A_911] {strides = array<i32>} : memref<2x128x128xf32, #tpu.memory_space<vmem>>, vector<16xf32>,
          %mul3A_913 = arith.mulf %get3A_896, %get3A_906 : vector<16xf32>
          %mul3A_914 = arith.mulf %get3A_900, %get3A_912 : vector<16xf32>
          %add3A_915 = arith.addf %mul3A_913, %mul3A_914 : vector<16xf32>
          %mul3A_916 = arith.mulf %unpack3A_815, %add3A_915 : vector<16xf32>
          %add3A_917 = arith.addf %add3A_741, %mul3A_916 : vector<16xf32>
          %mul3A_918 = arith.mulf %get3A_896, %get3A_912 : vector<16xf32>
          %mul3A_919 = arith.mulf %get3A_900, %get3A_906 : vector<16xf32>
          %sub3A_920 = arith.subf %mul3A_918, %mul3A_919 : vector<16xf32>
          %mul3A_921 = arith.mulf %unpack3A_817, %sub3A_920 : vector<16xf32>
          %add3A_922 = arith.addf %add3A_746, %mul3A_921 : vector<16xf32>
          %get3A_923 = arith.index_cast %and3A_51 : i32 to index
          %get3A_924 = arith.index_cast %add3A_172 : i32 to index
          %get3A_925 = arith.constant 64 : index
          %get3A_926 = tpu.vector_load %arg10[%get3A_923, %get3A_924, %get3A_925] {strides = array<i32>} : memref<2x128x128xf32, #tpu.memory_space<vmem>>, vector<16xf32>,
          %get3A_927 = arith.index_cast %and3A_51 : i32 to index
          %get3A_928 = arith.index_cast %add3A_172 : i32 to index
          %get3A_929 = arith.constant 64 : index
          %get3A_930 = tpu.vector_load %arg11[%get3A_927, %get3A_928, %get3A_929] {strides = array<i32>} : memref<2x128x128xf32, #tpu.memory_space<vmem>>, vector<16xf32>,
          %add3A_931 = arith.constant 64 : i32
          %add3A_932 = arith.addi %add3A_931, %add3A_172 : i32
          %get3A_933 = arith.index_cast %and3A_51 : i32 to index
          %get3A_934 = arith.index_cast %add3A_932 : i32 to index
          %get3A_935 = arith.constant 64 : index
          %get3A_936 = tpu.vector_load %arg10[%get3A_933, %get3A_934, %get3A_935] {strides = array<i32>} : memref<2x128x128xf32, #tpu.memory_space<vmem>>, vector<16xf32>,
          %add3A_937 = arith.constant 64 : i32
          %add3A_938 = arith.addi %add3A_937, %add3A_172 : i32
          %get3A_939 = arith.index_cast %and3A_51 : i32 to index
          %get3A_940 = arith.index_cast %add3A_938 : i32 to index
          %get3A_941 = arith.constant 64 : index
          %get3A_942 = tpu.vector_load %arg11[%get3A_939, %get3A_940, %get3A_941] {strides = array<i32>} : memref<2x128x128xf32, #tpu.memory_space<vmem>>, vector<16xf32>,
          %mul3A_943 = arith.mulf %get3A_926, %get3A_936 : vector<16xf32>
          %mul3A_944 = arith.mulf %get3A_930, %get3A_942 : vector<16xf32>
          %add3A_945 = arith.addf %mul3A_943, %mul3A_944 : vector<16xf32>
          %mul3A_946 = arith.mulf %unpack3A_829, %add3A_945 : vector<16xf32>
          %add3A_947 = arith.addf %add3A_771, %mul3A_946 : vector<16xf32>
          %mul3A_948 = arith.mulf %get3A_926, %get3A_942 : vector<16xf32>
          %mul3A_949 = arith.mulf %get3A_930, %get3A_936 : vector<16xf32>
          %sub3A_950 = arith.subf %mul3A_948, %mul3A_949 : vector<16xf32>
          %mul3A_951 = arith.mulf %unpack3A_831, %sub3A_950 : vector<16xf32>
          %add3A_952 = arith.addf %add3A_776, %mul3A_951 : vector<16xf32>
          %get3A_953 = arith.index_cast %and3A_51 : i32 to index
          %get3A_954 = arith.index_cast %add3A_163 : i32 to index
          %get3A_955 = arith.constant 80 : index
          %get3A_956 = tpu.vector_load %arg10[%get3A_953, %get3A_954, %get3A_955] {strides = array<i32>} : memref<2x128x128xf32, #tpu.memory_space<vmem>>, vector<16xf32>,
          %get3A_957 = arith.index_cast %and3A_51 : i32 to index
          %get3A_958 = arith.index_cast %add3A_163 : i32 to index
          %get3A_959 = arith.constant 80 : index
          %get3A_960 = tpu.vector_load %arg11[%get3A_957, %get3A_958, %get3A_959] {strides = array<i32>} : memref<2x128x128xf32, #tpu.memory_space<vmem>>, vector<16xf32>,
          %add3A_961 = arith.constant 64 : i32
          %add3A_962 = arith.addi %add3A_961, %add3A_163 : i32
          %get3A_963 = arith.index_cast %and3A_51 : i32 to index
          %get3A_964 = arith.index_cast %add3A_962 : i32 to index
          %get3A_965 = arith.constant 80 : index
          %get3A_966 = tpu.vector_load %arg10[%get3A_963, %get3A_964, %get3A_965] {strides = array<i32>} : memref<2x128x128xf32, #tpu.memory_space<vmem>>, vector<16xf32>,
          %add3A_967 = arith.constant 64 : i32
          %add3A_968 = arith.addi %add3A_967, %add3A_163 : i32
          %get3A_969 = arith.index_cast %and3A_51 : i32 to index
          %get3A_970 = arith.index_cast %add3A_968 : i32 to index
          %get3A_971 = arith.constant 80 : index
          %get3A_972 = tpu.vector_load %arg11[%get3A_969, %get3A_970, %get3A_971] {strides = array<i32>} : memref<2x128x128xf32, #tpu.memory_space<vmem>>, vector<16xf32>,
          %mul3A_973 = arith.mulf %get3A_956, %get3A_966 : vector<16xf32>
          %mul3A_974 = arith.mulf %get3A_960, %get3A_972 : vector<16xf32>
          %add3A_975 = arith.addf %mul3A_973, %mul3A_974 : vector<16xf32>
          %mul3A_976 = arith.mulf %unpack3A_788, %add3A_975 : vector<16xf32>
          %add3A_977 = arith.addf %add3A_857, %mul3A_976 : vector<16xf32>
          %mul3A_978 = arith.mulf %get3A_956, %get3A_972 : vector<16xf32>
          %mul3A_979 = arith.mulf %get3A_960, %get3A_966 : vector<16xf32>
          %sub3A_980 = arith.subf %mul3A_978, %mul3A_979 : vector<16xf32>
          %mul3A_981 = arith.mulf %unpack3A_790, %sub3A_980 : vector<16xf32>
          %add3A_982 = arith.addf %add3A_862, %mul3A_981 : vector<16xf32>
          %get3A_983 = arith.index_cast %and3A_51 : i32 to index
          %get3A_984 = arith.index_cast %add3A_166 : i32 to index
          %get3A_985 = arith.constant 80 : index
          %get3A_986 = tpu.vector_load %arg10[%get3A_983, %get3A_984, %get3A_985] {strides = array<i32>} : memref<2x128x128xf32, #tpu.memory_space<vmem>>, vector<16xf32>,
          %get3A_987 = arith.index_cast %and3A_51 : i32 to index
          %get3A_988 = arith.index_cast %add3A_166 : i32 to index
          %get3A_989 = arith.constant 80 : index
          %get3A_990 = tpu.vector_load %arg11[%get3A_987, %get3A_988, %get3A_989] {strides = array<i32>} : memref<2x128x128xf32, #tpu.memory_space<vmem>>, vector<16xf32>,
          %add3A_991 = arith.constant 64 : i32
          %add3A_992 = arith.addi %add3A_991, %add3A_166 : i32
          %get3A_993 = arith.index_cast %and3A_51 : i32 to index
          %get3A_994 = arith.index_cast %add3A_992 : i32 to index
          %get3A_995 = arith.constant 80 : index
          %get3A_996 = tpu.vector_load %arg10[%get3A_993, %get3A_994, %get3A_995] {strides = array<i32>} : memref<2x128x128xf32, #tpu.memory_space<vmem>>, vector<16xf32>,
          %add3A_997 = arith.constant 64 : i32
          %add3A_998 = arith.addi %add3A_997, %add3A_166 : i32
          %get3A_999 = arith.index_cast %and3A_51 : i32 to index
          %get3A_1000 = arith.index_cast %add3A_998 : i32 to index
          %get3A_1001 = arith.constant 80 : index
          %get3A_1002 = tpu.vector_load %arg11[%get3A_999, %get3A_1000, %get3A_1001] {strides = array<i32>} : memref<2x128x128xf32, #tpu.memory_space<vmem>>, vector<16xf32>,
          %mul3A_1003 = arith.mulf %get3A_986, %get3A_996 : vector<16xf32>
          %mul3A_1004 = arith.mulf %get3A_990, %get3A_1002 : vector<16xf32>
          %add3A_1005 = arith.addf %mul3A_1003, %mul3A_1004 : vector<16xf32>
          %mul3A_1006 = arith.mulf %unpack3A_802, %add3A_1005 : vector<16xf32>
          %add3A_1007 = arith.addf %add3A_887, %mul3A_1006 : vector<16xf32>
          %mul3A_1008 = arith.mulf %get3A_986, %get3A_1002 : vector<16xf32>
          %mul3A_1009 = arith.mulf %get3A_990, %get3A_996 : vector<16xf32>
          %sub3A_1010 = arith.subf %mul3A_1008, %mul3A_1009 : vector<16xf32>
          %mul3A_1011 = arith.mulf %unpack3A_804, %sub3A_1010 : vector<16xf32>
          %add3A_1012 = arith.addf %add3A_892, %mul3A_1011 : vector<16xf32>
          %get3A_1013 = arith.index_cast %and3A_51 : i32 to index
          %get3A_1014 = arith.index_cast %add3A_169 : i32 to index
          %get3A_1015 = arith.constant 80 : index
          %get3A_1016 = tpu.vector_load %arg10[%get3A_1013, %get3A_1014, %get3A_1015] {strides = array<i32>} : memref<2x128x128xf32, #tpu.memory_space<vmem>>, vector<16xf32>,
          %get3A_1017 = arith.index_cast %and3A_51 : i32 to index
          %get3A_1018 = arith.index_cast %add3A_169 : i32 to index
          %get3A_1019 = arith.constant 80 : index
          %get3A_1020 = tpu.vector_load %arg11[%get3A_1017, %get3A_1018, %get3A_1019] {strides = array<i32>} : memref<2x128x128xf32, #tpu.memory_space<vmem>>, vector<16xf32>,
          %add3A_1021 = arith.constant 64 : i32
          %add3A_1022 = arith.addi %add3A_1021, %add3A_169 : i32
          %get3A_1023 = arith.index_cast %and3A_51 : i32 to index
          %get3A_1024 = arith.index_cast %add3A_1022 : i32 to index
          %get3A_1025 = arith.constant 80 : index
          %get3A_1026 = tpu.vector_load %arg10[%get3A_1023, %get3A_1024, %get3A_1025] {strides = array<i32>} : memref<2x128x128xf32, #tpu.memory_space<vmem>>, vector<16xf32>,
          %add3A_1027 = arith.constant 64 : i32
          %add3A_1028 = arith.addi %add3A_1027, %add3A_169 : i32
          %get3A_1029 = arith.index_cast %and3A_51 : i32 to index
          %get3A_1030 = arith.index_cast %add3A_1028 : i32 to index
          %get3A_1031 = arith.constant 80 : index
          %get3A_1032 = tpu.vector_load %arg11[%get3A_1029, %get3A_1030, %get3A_1031] {strides = array<i32>} : memref<2x128x128xf32, #tpu.memory_space<vmem>>, vector<16xf32>,
          %mul3A_1033 = arith.mulf %get3A_1016, %get3A_1026 : vector<16xf32>
          %mul3A_1034 = arith.mulf %get3A_1020, %get3A_1032 : vector<16xf32>
          %add3A_1035 = arith.addf %mul3A_1033, %mul3A_1034 : vector<16xf32>
          %mul3A_1036 = arith.mulf %unpack3A_816, %add3A_1035 : vector<16xf32>
          %add3A_1037 = arith.addf %add3A_917, %mul3A_1036 : vector<16xf32>
          %mul3A_1038 = arith.mulf %get3A_1016, %get3A_1032 : vector<16xf32>
          %mul3A_1039 = arith.mulf %get3A_1020, %get3A_1026 : vector<16xf32>
          %sub3A_1040 = arith.subf %mul3A_1038, %mul3A_1039 : vector<16xf32>
          %mul3A_1041 = arith.mulf %unpack3A_818, %sub3A_1040 : vector<16xf32>
          %add3A_1042 = arith.addf %add3A_922, %mul3A_1041 : vector<16xf32>
          %get3A_1043 = arith.index_cast %and3A_51 : i32 to index
          %get3A_1044 = arith.index_cast %add3A_172 : i32 to index
          %get3A_1045 = arith.constant 80 : index
          %get3A_1046 = tpu.vector_load %arg10[%get3A_1043, %get3A_1044, %get3A_1045] {strides = array<i32>} : memref<2x128x128xf32, #tpu.memory_space<vmem>>, vector<16xf32>,
          %get3A_1047 = arith.index_cast %and3A_51 : i32 to index
          %get3A_1048 = arith.index_cast %add3A_172 : i32 to index
          %get3A_1049 = arith.constant 80 : index
          %get3A_1050 = tpu.vector_load %arg11[%get3A_1047, %get3A_1048, %get3A_1049] {strides = array<i32>} : memref<2x128x128xf32, #tpu.memory_space<vmem>>, vector<16xf32>,
          %add3A_1051 = arith.constant 64 : i32
          %add3A_1052 = arith.addi %add3A_1051, %add3A_172 : i32
          %get3A_1053 = arith.index_cast %and3A_51 : i32 to index
          %get3A_1054 = arith.index_cast %add3A_1052 : i32 to index
          %get3A_1055 = arith.constant 80 : index
          %get3A_1056 = tpu.vector_load %arg10[%get3A_1053, %get3A_1054, %get3A_1055] {strides = array<i32>} : memref<2x128x128xf32, #tpu.memory_space<vmem>>, vector<16xf32>,
          %add3A_1057 = arith.constant 64 : i32
          %add3A_1058 = arith.addi %add3A_1057, %add3A_172 : i32
          %get3A_1059 = arith.index_cast %and3A_51 : i32 to index
          %get3A_1060 = arith.index_cast %add3A_1058 : i32 to index
          %get3A_1061 = arith.constant 80 : index
          %get3A_1062 = tpu.vector_load %arg11[%get3A_1059, %get3A_1060, %get3A_1061] {strides = array<i32>} : memref<2x128x128xf32, #tpu.memory_space<vmem>>, vector<16xf32>,
          %mul3A_1063 = arith.mulf %get3A_1046, %get3A_1056 : vector<16xf32>
          %mul3A_1064 = arith.mulf %get3A_1050, %get3A_1062 : vector<16xf32>
          %add3A_1065 = arith.addf %mul3A_1063, %mul3A_1064 : vector<16xf32>
          %mul3A_1066 = arith.mulf %unpack3A_830, %add3A_1065 : vector<16xf32>
          %add3A_1067 = arith.addf %add3A_947, %mul3A_1066 : vector<16xf32>
          %mul3A_1068 = arith.mulf %get3A_1046, %get3A_1062 : vector<16xf32>
          %mul3A_1069 = arith.mulf %get3A_1050, %get3A_1056 : vector<16xf32>
          %sub3A_1070 = arith.subf %mul3A_1068, %mul3A_1069 : vector<16xf32>
          %mul3A_1071 = arith.mulf %unpack3A_832, %sub3A_1070 : vector<16xf32>
          %add3A_1072 = arith.addf %add3A_952, %mul3A_1071 : vector<16xf32>
          %get3A_1073 = arith.index_cast %and3A_51 : i32 to index
          %get3A_1074 = arith.index_cast %add3A_163 : i32 to index
          %get3A_1075 = arith.constant 48 : index
          %get3A_1076 = tpu.vector_load %arg12[%get3A_1073, %get3A_1074, %get3A_1075] {strides = array<i32>} : memref<2x64x128xi32, #tpu.memory_space<vmem>>, vector<16xi32>,
          %bitcast3A_1077 = vector.bitcast %get3A_1076 : vector<16xi32> to vector<32xbf16>
          %get3A_1078 = arith.index_cast %and3A_51 : i32 to index
          %get3A_1079 = arith.index_cast %add3A_163 : i32 to index
          %get3A_1080 = arith.constant 112 : index
          %get3A_1081 = tpu.vector_load %arg12[%get3A_1078, %get3A_1079, %get3A_1080] {strides = array<i32>} : memref<2x64x128xi32, #tpu.memory_space<vmem>>, vector<16xi32>,
          %bitcast3A_1082 = vector.bitcast %get3A_1081 : vector<16xi32> to vector<32xbf16>
          %unpack3A_1083 = tpu.unpack_subelements %bitcast3A_1077, 0 {pack_format = #tpu.pack_format<interleaved>} : vector<32xbf16> -> vector<16xf32>
          %unpack3A_1084 = tpu.unpack_subelements %bitcast3A_1077, 1 {pack_format = #tpu.pack_format<interleaved>} : vector<32xbf16> -> vector<16xf32>
          %unpack3A_1085 = tpu.unpack_subelements %bitcast3A_1082, 0 {pack_format = #tpu.pack_format<interleaved>} : vector<32xbf16> -> vector<16xf32>
          %unpack3A_1086 = tpu.unpack_subelements %bitcast3A_1082, 1 {pack_format = #tpu.pack_format<interleaved>} : vector<32xbf16> -> vector<16xf32>
          %get3A_1087 = arith.index_cast %and3A_51 : i32 to index
          %get3A_1088 = arith.index_cast %add3A_166 : i32 to index
          %get3A_1089 = arith.constant 48 : index
          %get3A_1090 = tpu.vector_load %arg12[%get3A_1087, %get3A_1088, %get3A_1089] {strides = array<i32>} : memref<2x64x128xi32, #tpu.memory_space<vmem>>, vector<16xi32>,
          %bitcast3A_1091 = vector.bitcast %get3A_1090 : vector<16xi32> to vector<32xbf16>
          %get3A_1092 = arith.index_cast %and3A_51 : i32 to index
          %get3A_1093 = arith.index_cast %add3A_166 : i32 to index
          %get3A_1094 = arith.constant 112 : index
          %get3A_1095 = tpu.vector_load %arg12[%get3A_1092, %get3A_1093, %get3A_1094] {strides = array<i32>} : memref<2x64x128xi32, #tpu.memory_space<vmem>>, vector<16xi32>,
          %bitcast3A_1096 = vector.bitcast %get3A_1095 : vector<16xi32> to vector<32xbf16>
          %unpack3A_1097 = tpu.unpack_subelements %bitcast3A_1091, 0 {pack_format = #tpu.pack_format<interleaved>} : vector<32xbf16> -> vector<16xf32>
          %unpack3A_1098 = tpu.unpack_subelements %bitcast3A_1091, 1 {pack_format = #tpu.pack_format<interleaved>} : vector<32xbf16> -> vector<16xf32>
          %unpack3A_1099 = tpu.unpack_subelements %bitcast3A_1096, 0 {pack_format = #tpu.pack_format<interleaved>} : vector<32xbf16> -> vector<16xf32>
          %unpack3A_1100 = tpu.unpack_subelements %bitcast3A_1096, 1 {pack_format = #tpu.pack_format<interleaved>} : vector<32xbf16> -> vector<16xf32>
          %get3A_1101 = arith.index_cast %and3A_51 : i32 to index
          %get3A_1102 = arith.index_cast %add3A_169 : i32 to index
          %get3A_1103 = arith.constant 48 : index
          %get3A_1104 = tpu.vector_load %arg12[%get3A_1101, %get3A_1102, %get3A_1103] {strides = array<i32>} : memref<2x64x128xi32, #tpu.memory_space<vmem>>, vector<16xi32>,
          %bitcast3A_1105 = vector.bitcast %get3A_1104 : vector<16xi32> to vector<32xbf16>
          %get3A_1106 = arith.index_cast %and3A_51 : i32 to index
          %get3A_1107 = arith.index_cast %add3A_169 : i32 to index
          %get3A_1108 = arith.constant 112 : index
          %get3A_1109 = tpu.vector_load %arg12[%get3A_1106, %get3A_1107, %get3A_1108] {strides = array<i32>} : memref<2x64x128xi32, #tpu.memory_space<vmem>>, vector<16xi32>,
          %bitcast3A_1110 = vector.bitcast %get3A_1109 : vector<16xi32> to vector<32xbf16>
          %unpack3A_1111 = tpu.unpack_subelements %bitcast3A_1105, 0 {pack_format = #tpu.pack_format<interleaved>} : vector<32xbf16> -> vector<16xf32>
          %unpack3A_1112 = tpu.unpack_subelements %bitcast3A_1105, 1 {pack_format = #tpu.pack_format<interleaved>} : vector<32xbf16> -> vector<16xf32>
          %unpack3A_1113 = tpu.unpack_subelements %bitcast3A_1110, 0 {pack_format = #tpu.pack_format<interleaved>} : vector<32xbf16> -> vector<16xf32>
          %unpack3A_1114 = tpu.unpack_subelements %bitcast3A_1110, 1 {pack_format = #tpu.pack_format<interleaved>} : vector<32xbf16> -> vector<16xf32>
          %get3A_1115 = arith.index_cast %and3A_51 : i32 to index
          %get3A_1116 = arith.index_cast %add3A_172 : i32 to index
          %get3A_1117 = arith.constant 48 : index
          %get3A_1118 = tpu.vector_load %arg12[%get3A_1115, %get3A_1116, %get3A_1117] {strides = array<i32>} : memref<2x64x128xi32, #tpu.memory_space<vmem>>, vector<16xi32>,
          %bitcast3A_1119 = vector.bitcast %get3A_1118 : vector<16xi32> to vector<32xbf16>
          %get3A_1120 = arith.index_cast %and3A_51 : i32 to index
          %get3A_1121 = arith.index_cast %add3A_172 : i32 to index
          %get3A_1122 = arith.constant 112 : index
          %get3A_1123 = tpu.vector_load %arg12[%get3A_1120, %get3A_1121, %get3A_1122] {strides = array<i32>} : memref<2x64x128xi32, #tpu.memory_space<vmem>>, vector<16xi32>,
          %bitcast3A_1124 = vector.bitcast %get3A_1123 : vector<16xi32> to vector<32xbf16>
          %unpack3A_1125 = tpu.unpack_subelements %bitcast3A_1119, 0 {pack_format = #tpu.pack_format<interleaved>} : vector<32xbf16> -> vector<16xf32>
          %unpack3A_1126 = tpu.unpack_subelements %bitcast3A_1119, 1 {pack_format = #tpu.pack_format<interleaved>} : vector<32xbf16> -> vector<16xf32>
          %unpack3A_1127 = tpu.unpack_subelements %bitcast3A_1124, 0 {pack_format = #tpu.pack_format<interleaved>} : vector<32xbf16> -> vector<16xf32>
          %unpack3A_1128 = tpu.unpack_subelements %bitcast3A_1124, 1 {pack_format = #tpu.pack_format<interleaved>} : vector<32xbf16> -> vector<16xf32>
          %get3A_1129 = arith.index_cast %and3A_51 : i32 to index
          %get3A_1130 = arith.index_cast %add3A_163 : i32 to index
          %get3A_1131 = arith.constant 96 : index
          %get3A_1132 = tpu.vector_load %arg10[%get3A_1129, %get3A_1130, %get3A_1131] {strides = array<i32>} : memref<2x128x128xf32, #tpu.memory_space<vmem>>, vector<16xf32>,
          %get3A_1133 = arith.index_cast %and3A_51 : i32 to index
          %get3A_1134 = arith.index_cast %add3A_163 : i32 to index
          %get3A_1135 = arith.constant 96 : index
          %get3A_1136 = tpu.vector_load %arg11[%get3A_1133, %get3A_1134, %get3A_1135] {strides = array<i32>} : memref<2x128x128xf32, #tpu.memory_space<vmem>>, vector<16xf32>,
          %add3A_1137 = arith.constant 64 : i32
          %add3A_1138 = arith.addi %add3A_1137, %add3A_163 : i32
          %get3A_1139 = arith.index_cast %and3A_51 : i32 to index
          %get3A_1140 = arith.index_cast %add3A_1138 : i32 to index
          %get3A_1141 = arith.constant 96 : index
          %get3A_1142 = tpu.vector_load %arg10[%get3A_1139, %get3A_1140, %get3A_1141] {strides = array<i32>} : memref<2x128x128xf32, #tpu.memory_space<vmem>>, vector<16xf32>,
          %add3A_1143 = arith.constant 64 : i32
          %add3A_1144 = arith.addi %add3A_1143, %add3A_163 : i32
          %get3A_1145 = arith.index_cast %and3A_51 : i32 to index
          %get3A_1146 = arith.index_cast %add3A_1144 : i32 to index
          %get3A_1147 = arith.constant 96 : index
          %get3A_1148 = tpu.vector_load %arg11[%get3A_1145, %get3A_1146, %get3A_1147] {strides = array<i32>} : memref<2x128x128xf32, #tpu.memory_space<vmem>>, vector<16xf32>,
          %mul3A_1149 = arith.mulf %get3A_1132, %get3A_1142 : vector<16xf32>
          %mul3A_1150 = arith.mulf %get3A_1136, %get3A_1148 : vector<16xf32>
          %add3A_1151 = arith.addf %mul3A_1149, %mul3A_1150 : vector<16xf32>
          %mul3A_1152 = arith.mulf %unpack3A_1083, %add3A_1151 : vector<16xf32>
          %add3A_1153 = arith.addf %add3A_977, %mul3A_1152 : vector<16xf32>
          %mul3A_1154 = arith.mulf %get3A_1132, %get3A_1148 : vector<16xf32>
          %mul3A_1155 = arith.mulf %get3A_1136, %get3A_1142 : vector<16xf32>
          %sub3A_1156 = arith.subf %mul3A_1154, %mul3A_1155 : vector<16xf32>
          %mul3A_1157 = arith.mulf %unpack3A_1085, %sub3A_1156 : vector<16xf32>
          %add3A_1158 = arith.addf %add3A_982, %mul3A_1157 : vector<16xf32>
          %get3A_1159 = arith.index_cast %and3A_51 : i32 to index
          %get3A_1160 = arith.index_cast %add3A_166 : i32 to index
          %get3A_1161 = arith.constant 96 : index
          %get3A_1162 = tpu.vector_load %arg10[%get3A_1159, %get3A_1160, %get3A_1161] {strides = array<i32>} : memref<2x128x128xf32, #tpu.memory_space<vmem>>, vector<16xf32>,
          %get3A_1163 = arith.index_cast %and3A_51 : i32 to index
          %get3A_1164 = arith.index_cast %add3A_166 : i32 to index
          %get3A_1165 = arith.constant 96 : index
          %get3A_1166 = tpu.vector_load %arg11[%get3A_1163, %get3A_1164, %get3A_1165] {strides = array<i32>} : memref<2x128x128xf32, #tpu.memory_space<vmem>>, vector<16xf32>,
          %add3A_1167 = arith.constant 64 : i32
          %add3A_1168 = arith.addi %add3A_1167, %add3A_166 : i32
          %get3A_1169 = arith.index_cast %and3A_51 : i32 to index
          %get3A_1170 = arith.index_cast %add3A_1168 : i32 to index
          %get3A_1171 = arith.constant 96 : index
          %get3A_1172 = tpu.vector_load %arg10[%get3A_1169, %get3A_1170, %get3A_1171] {strides = array<i32>} : memref<2x128x128xf32, #tpu.memory_space<vmem>>, vector<16xf32>,
          %add3A_1173 = arith.constant 64 : i32
          %add3A_1174 = arith.addi %add3A_1173, %add3A_166 : i32
          %get3A_1175 = arith.index_cast %and3A_51 : i32 to index
          %get3A_1176 = arith.index_cast %add3A_1174 : i32 to index
          %get3A_1177 = arith.constant 96 : index
          %get3A_1178 = tpu.vector_load %arg11[%get3A_1175, %get3A_1176, %get3A_1177] {strides = array<i32>} : memref<2x128x128xf32, #tpu.memory_space<vmem>>, vector<16xf32>,
          %mul3A_1179 = arith.mulf %get3A_1162, %get3A_1172 : vector<16xf32>
          %mul3A_1180 = arith.mulf %get3A_1166, %get3A_1178 : vector<16xf32>
          %add3A_1181 = arith.addf %mul3A_1179, %mul3A_1180 : vector<16xf32>
          %mul3A_1182 = arith.mulf %unpack3A_1097, %add3A_1181 : vector<16xf32>
          %add3A_1183 = arith.addf %add3A_1007, %mul3A_1182 : vector<16xf32>
          %mul3A_1184 = arith.mulf %get3A_1162, %get3A_1178 : vector<16xf32>
          %mul3A_1185 = arith.mulf %get3A_1166, %get3A_1172 : vector<16xf32>
          %sub3A_1186 = arith.subf %mul3A_1184, %mul3A_1185 : vector<16xf32>
          %mul3A_1187 = arith.mulf %unpack3A_1099, %sub3A_1186 : vector<16xf32>
          %add3A_1188 = arith.addf %add3A_1012, %mul3A_1187 : vector<16xf32>
          %get3A_1189 = arith.index_cast %and3A_51 : i32 to index
          %get3A_1190 = arith.index_cast %add3A_169 : i32 to index
          %get3A_1191 = arith.constant 96 : index
          %get3A_1192 = tpu.vector_load %arg10[%get3A_1189, %get3A_1190, %get3A_1191] {strides = array<i32>} : memref<2x128x128xf32, #tpu.memory_space<vmem>>, vector<16xf32>,
          %get3A_1193 = arith.index_cast %and3A_51 : i32 to index
          %get3A_1194 = arith.index_cast %add3A_169 : i32 to index
          %get3A_1195 = arith.constant 96 : index
          %get3A_1196 = tpu.vector_load %arg11[%get3A_1193, %get3A_1194, %get3A_1195] {strides = array<i32>} : memref<2x128x128xf32, #tpu.memory_space<vmem>>, vector<16xf32>,
          %add3A_1197 = arith.constant 64 : i32
          %add3A_1198 = arith.addi %add3A_1197, %add3A_169 : i32
          %get3A_1199 = arith.index_cast %and3A_51 : i32 to index
          %get3A_1200 = arith.index_cast %add3A_1198 : i32 to index
          %get3A_1201 = arith.constant 96 : index
          %get3A_1202 = tpu.vector_load %arg10[%get3A_1199, %get3A_1200, %get3A_1201] {strides = array<i32>} : memref<2x128x128xf32, #tpu.memory_space<vmem>>, vector<16xf32>,
          %add3A_1203 = arith.constant 64 : i32
          %add3A_1204 = arith.addi %add3A_1203, %add3A_169 : i32
          %get3A_1205 = arith.index_cast %and3A_51 : i32 to index
          %get3A_1206 = arith.index_cast %add3A_1204 : i32 to index
          %get3A_1207 = arith.constant 96 : index
          %get3A_1208 = tpu.vector_load %arg11[%get3A_1205, %get3A_1206, %get3A_1207] {strides = array<i32>} : memref<2x128x128xf32, #tpu.memory_space<vmem>>, vector<16xf32>,
          %mul3A_1209 = arith.mulf %get3A_1192, %get3A_1202 : vector<16xf32>
          %mul3A_1210 = arith.mulf %get3A_1196, %get3A_1208 : vector<16xf32>
          %add3A_1211 = arith.addf %mul3A_1209, %mul3A_1210 : vector<16xf32>
          %mul3A_1212 = arith.mulf %unpack3A_1111, %add3A_1211 : vector<16xf32>
          %add3A_1213 = arith.addf %add3A_1037, %mul3A_1212 : vector<16xf32>
          %mul3A_1214 = arith.mulf %get3A_1192, %get3A_1208 : vector<16xf32>
          %mul3A_1215 = arith.mulf %get3A_1196, %get3A_1202 : vector<16xf32>
          %sub3A_1216 = arith.subf %mul3A_1214, %mul3A_1215 : vector<16xf32>
          %mul3A_1217 = arith.mulf %unpack3A_1113, %sub3A_1216 : vector<16xf32>
          %add3A_1218 = arith.addf %add3A_1042, %mul3A_1217 : vector<16xf32>
          %get3A_1219 = arith.index_cast %and3A_51 : i32 to index
          %get3A_1220 = arith.index_cast %add3A_172 : i32 to index
          %get3A_1221 = arith.constant 96 : index
          %get3A_1222 = tpu.vector_load %arg10[%get3A_1219, %get3A_1220, %get3A_1221] {strides = array<i32>} : memref<2x128x128xf32, #tpu.memory_space<vmem>>, vector<16xf32>,
          %get3A_1223 = arith.index_cast %and3A_51 : i32 to index
          %get3A_1224 = arith.index_cast %add3A_172 : i32 to index
          %get3A_1225 = arith.constant 96 : index
          %get3A_1226 = tpu.vector_load %arg11[%get3A_1223, %get3A_1224, %get3A_1225] {strides = array<i32>} : memref<2x128x128xf32, #tpu.memory_space<vmem>>, vector<16xf32>,
          %add3A_1227 = arith.constant 64 : i32
          %add3A_1228 = arith.addi %add3A_1227, %add3A_172 : i32
          %get3A_1229 = arith.index_cast %and3A_51 : i32 to index
          %get3A_1230 = arith.index_cast %add3A_1228 : i32 to index
          %get3A_1231 = arith.constant 96 : index
          %get3A_1232 = tpu.vector_load %arg10[%get3A_1229, %get3A_1230, %get3A_1231] {strides = array<i32>} : memref<2x128x128xf32, #tpu.memory_space<vmem>>, vector<16xf32>,
          %add3A_1233 = arith.constant 64 : i32
          %add3A_1234 = arith.addi %add3A_1233, %add3A_172 : i32
          %get3A_1235 = arith.index_cast %and3A_51 : i32 to index
          %get3A_1236 = arith.index_cast %add3A_1234 : i32 to index
          %get3A_1237 = arith.constant 96 : index
          %get3A_1238 = tpu.vector_load %arg11[%get3A_1235, %get3A_1236, %get3A_1237] {strides = array<i32>} : memref<2x128x128xf32, #tpu.memory_space<vmem>>, vector<16xf32>,
          %mul3A_1239 = arith.mulf %get3A_1222, %get3A_1232 : vector<16xf32>
          %mul3A_1240 = arith.mulf %get3A_1226, %get3A_1238 : vector<16xf32>
          %add3A_1241 = arith.addf %mul3A_1239, %mul3A_1240 : vector<16xf32>
          %mul3A_1242 = arith.mulf %unpack3A_1125, %add3A_1241 : vector<16xf32>
          %add3A_1243 = arith.addf %add3A_1067, %mul3A_1242 : vector<16xf32>
          %mul3A_1244 = arith.mulf %get3A_1222, %get3A_1238 : vector<16xf32>
          %mul3A_1245 = arith.mulf %get3A_1226, %get3A_1232 : vector<16xf32>
          %sub3A_1246 = arith.subf %mul3A_1244, %mul3A_1245 : vector<16xf32>
          %mul3A_1247 = arith.mulf %unpack3A_1127, %sub3A_1246 : vector<16xf32>
          %add3A_1248 = arith.addf %add3A_1072, %mul3A_1247 : vector<16xf32>
          %get3A_1249 = arith.index_cast %and3A_51 : i32 to index
          %get3A_1250 = arith.index_cast %add3A_163 : i32 to index
          %get3A_1251 = arith.constant 112 : index
          %get3A_1252 = tpu.vector_load %arg10[%get3A_1249, %get3A_1250, %get3A_1251] {strides = array<i32>} : memref<2x128x128xf32, #tpu.memory_space<vmem>>, vector<16xf32>,
          %get3A_1253 = arith.index_cast %and3A_51 : i32 to index
          %get3A_1254 = arith.index_cast %add3A_163 : i32 to index
          %get3A_1255 = arith.constant 112 : index
          %get3A_1256 = tpu.vector_load %arg11[%get3A_1253, %get3A_1254, %get3A_1255] {strides = array<i32>} : memref<2x128x128xf32, #tpu.memory_space<vmem>>, vector<16xf32>,
          %add3A_1257 = arith.constant 64 : i32
          %add3A_1258 = arith.addi %add3A_1257, %add3A_163 : i32
          %get3A_1259 = arith.index_cast %and3A_51 : i32 to index
          %get3A_1260 = arith.index_cast %add3A_1258 : i32 to index
          %get3A_1261 = arith.constant 112 : index
          %get3A_1262 = tpu.vector_load %arg10[%get3A_1259, %get3A_1260, %get3A_1261] {strides = array<i32>} : memref<2x128x128xf32, #tpu.memory_space<vmem>>, vector<16xf32>,
          %add3A_1263 = arith.constant 64 : i32
          %add3A_1264 = arith.addi %add3A_1263, %add3A_163 : i32
          %get3A_1265 = arith.index_cast %and3A_51 : i32 to index
          %get3A_1266 = arith.index_cast %add3A_1264 : i32 to index
          %get3A_1267 = arith.constant 112 : index
          %get3A_1268 = tpu.vector_load %arg11[%get3A_1265, %get3A_1266, %get3A_1267] {strides = array<i32>} : memref<2x128x128xf32, #tpu.memory_space<vmem>>, vector<16xf32>,
          %mul3A_1269 = arith.mulf %get3A_1252, %get3A_1262 : vector<16xf32>
          %mul3A_1270 = arith.mulf %get3A_1256, %get3A_1268 : vector<16xf32>
          %add3A_1271 = arith.addf %mul3A_1269, %mul3A_1270 : vector<16xf32>
          %mul3A_1272 = arith.mulf %unpack3A_1084, %add3A_1271 : vector<16xf32>
          %add3A_1273 = arith.addf %add3A_1153, %mul3A_1272 : vector<16xf32>
          %mul3A_1274 = arith.mulf %get3A_1252, %get3A_1268 : vector<16xf32>
          %mul3A_1275 = arith.mulf %get3A_1256, %get3A_1262 : vector<16xf32>
          %sub3A_1276 = arith.subf %mul3A_1274, %mul3A_1275 : vector<16xf32>
          %mul3A_1277 = arith.mulf %unpack3A_1086, %sub3A_1276 : vector<16xf32>
          %add3A_1278 = arith.addf %add3A_1158, %mul3A_1277 : vector<16xf32>
          %get3A_1279 = arith.index_cast %and3A_51 : i32 to index
          %get3A_1280 = arith.index_cast %add3A_166 : i32 to index
          %get3A_1281 = arith.constant 112 : index
          %get3A_1282 = tpu.vector_load %arg10[%get3A_1279, %get3A_1280, %get3A_1281] {strides = array<i32>} : memref<2x128x128xf32, #tpu.memory_space<vmem>>, vector<16xf32>,
          %get3A_1283 = arith.index_cast %and3A_51 : i32 to index
          %get3A_1284 = arith.index_cast %add3A_166 : i32 to index
          %get3A_1285 = arith.constant 112 : index
          %get3A_1286 = tpu.vector_load %arg11[%get3A_1283, %get3A_1284, %get3A_1285] {strides = array<i32>} : memref<2x128x128xf32, #tpu.memory_space<vmem>>, vector<16xf32>,
          %add3A_1287 = arith.constant 64 : i32
          %add3A_1288 = arith.addi %add3A_1287, %add3A_166 : i32
          %get3A_1289 = arith.index_cast %and3A_51 : i32 to index
          %get3A_1290 = arith.index_cast %add3A_1288 : i32 to index
          %get3A_1291 = arith.constant 112 : index
          %get3A_1292 = tpu.vector_load %arg10[%get3A_1289, %get3A_1290, %get3A_1291] {strides = array<i32>} : memref<2x128x128xf32, #tpu.memory_space<vmem>>, vector<16xf32>,
          %add3A_1293 = arith.constant 64 : i32
          %add3A_1294 = arith.addi %add3A_1293, %add3A_166 : i32
          %get3A_1295 = arith.index_cast %and3A_51 : i32 to index
          %get3A_1296 = arith.index_cast %add3A_1294 : i32 to index
          %get3A_1297 = arith.constant 112 : index
          %get3A_1298 = tpu.vector_load %arg11[%get3A_1295, %get3A_1296, %get3A_1297] {strides = array<i32>} : memref<2x128x128xf32, #tpu.memory_space<vmem>>, vector<16xf32>,
          %mul3A_1299 = arith.mulf %get3A_1282, %get3A_1292 : vector<16xf32>
          %mul3A_1300 = arith.mulf %get3A_1286, %get3A_1298 : vector<16xf32>
          %add3A_1301 = arith.addf %mul3A_1299, %mul3A_1300 : vector<16xf32>
          %mul3A_1302 = arith.mulf %unpack3A_1098, %add3A_1301 : vector<16xf32>
          %add3A_1303 = arith.addf %add3A_1183, %mul3A_1302 : vector<16xf32>
          %mul3A_1304 = arith.mulf %get3A_1282, %get3A_1298 : vector<16xf32>
          %mul3A_1305 = arith.mulf %get3A_1286, %get3A_1292 : vector<16xf32>
          %sub3A_1306 = arith.subf %mul3A_1304, %mul3A_1305 : vector<16xf32>
          %mul3A_1307 = arith.mulf %unpack3A_1100, %sub3A_1306 : vector<16xf32>
          %add3A_1308 = arith.addf %add3A_1188, %mul3A_1307 : vector<16xf32>
          %get3A_1309 = arith.index_cast %and3A_51 : i32 to index
          %get3A_1310 = arith.index_cast %add3A_169 : i32 to index
          %get3A_1311 = arith.constant 112 : index
          %get3A_1312 = tpu.vector_load %arg10[%get3A_1309, %get3A_1310, %get3A_1311] {strides = array<i32>} : memref<2x128x128xf32, #tpu.memory_space<vmem>>, vector<16xf32>,
          %get3A_1313 = arith.index_cast %and3A_51 : i32 to index
          %get3A_1314 = arith.index_cast %add3A_169 : i32 to index
          %get3A_1315 = arith.constant 112 : index
          %get3A_1316 = tpu.vector_load %arg11[%get3A_1313, %get3A_1314, %get3A_1315] {strides = array<i32>} : memref<2x128x128xf32, #tpu.memory_space<vmem>>, vector<16xf32>,
          %add3A_1317 = arith.constant 64 : i32
          %add3A_1318 = arith.addi %add3A_1317, %add3A_169 : i32
          %get3A_1319 = arith.index_cast %and3A_51 : i32 to index
          %get3A_1320 = arith.index_cast %add3A_1318 : i32 to index
          %get3A_1321 = arith.constant 112 : index
          %get3A_1322 = tpu.vector_load %arg10[%get3A_1319, %get3A_1320, %get3A_1321] {strides = array<i32>} : memref<2x128x128xf32, #tpu.memory_space<vmem>>, vector<16xf32>,
          %add3A_1323 = arith.constant 64 : i32
          %add3A_1324 = arith.addi %add3A_1323, %add3A_169 : i32
          %get3A_1325 = arith.index_cast %and3A_51 : i32 to index
          %get3A_1326 = arith.index_cast %add3A_1324 : i32 to index
          %get3A_1327 = arith.constant 112 : index
          %get3A_1328 = tpu.vector_load %arg11[%get3A_1325, %get3A_1326, %get3A_1327] {strides = array<i32>} : memref<2x128x128xf32, #tpu.memory_space<vmem>>, vector<16xf32>,
          %mul3A_1329 = arith.mulf %get3A_1312, %get3A_1322 : vector<16xf32>
          %mul3A_1330 = arith.mulf %get3A_1316, %get3A_1328 : vector<16xf32>
          %add3A_1331 = arith.addf %mul3A_1329, %mul3A_1330 : vector<16xf32>
          %mul3A_1332 = arith.mulf %unpack3A_1112, %add3A_1331 : vector<16xf32>
          %add3A_1333 = arith.addf %add3A_1213, %mul3A_1332 : vector<16xf32>
          %mul3A_1334 = arith.mulf %get3A_1312, %get3A_1328 : vector<16xf32>
          %mul3A_1335 = arith.mulf %get3A_1316, %get3A_1322 : vector<16xf32>
          %sub3A_1336 = arith.subf %mul3A_1334, %mul3A_1335 : vector<16xf32>
          %mul3A_1337 = arith.mulf %unpack3A_1114, %sub3A_1336 : vector<16xf32>
          %add3A_1338 = arith.addf %add3A_1218, %mul3A_1337 : vector<16xf32>
          %get3A_1339 = arith.index_cast %and3A_51 : i32 to index
          %get3A_1340 = arith.index_cast %add3A_172 : i32 to index
          %get3A_1341 = arith.constant 112 : index
          %get3A_1342 = tpu.vector_load %arg10[%get3A_1339, %get3A_1340, %get3A_1341] {strides = array<i32>} : memref<2x128x128xf32, #tpu.memory_space<vmem>>, vector<16xf32>,
          %get3A_1343 = arith.index_cast %and3A_51 : i32 to index
          %get3A_1344 = arith.index_cast %add3A_172 : i32 to index
          %get3A_1345 = arith.constant 112 : index
          %get3A_1346 = tpu.vector_load %arg11[%get3A_1343, %get3A_1344, %get3A_1345] {strides = array<i32>} : memref<2x128x128xf32, #tpu.memory_space<vmem>>, vector<16xf32>,
          %add3A_1347 = arith.constant 64 : i32
          %add3A_1348 = arith.addi %add3A_1347, %add3A_172 : i32
          %get3A_1349 = arith.index_cast %and3A_51 : i32 to index
          %get3A_1350 = arith.index_cast %add3A_1348 : i32 to index
          %get3A_1351 = arith.constant 112 : index
          %get3A_1352 = tpu.vector_load %arg10[%get3A_1349, %get3A_1350, %get3A_1351] {strides = array<i32>} : memref<2x128x128xf32, #tpu.memory_space<vmem>>, vector<16xf32>,
          %add3A_1353 = arith.constant 64 : i32
          %add3A_1354 = arith.addi %add3A_1353, %add3A_172 : i32
          %get3A_1355 = arith.index_cast %and3A_51 : i32 to index
          %get3A_1356 = arith.index_cast %add3A_1354 : i32 to index
          %get3A_1357 = arith.constant 112 : index
          %get3A_1358 = tpu.vector_load %arg11[%get3A_1355, %get3A_1356, %get3A_1357] {strides = array<i32>} : memref<2x128x128xf32, #tpu.memory_space<vmem>>, vector<16xf32>,
          %mul3A_1359 = arith.mulf %get3A_1342, %get3A_1352 : vector<16xf32>
          %mul3A_1360 = arith.mulf %get3A_1346, %get3A_1358 : vector<16xf32>
          %add3A_1361 = arith.addf %mul3A_1359, %mul3A_1360 : vector<16xf32>
          %mul3A_1362 = arith.mulf %unpack3A_1126, %add3A_1361 : vector<16xf32>
          %add3A_1363 = arith.addf %add3A_1243, %mul3A_1362 : vector<16xf32>
          %mul3A_1364 = arith.mulf %get3A_1342, %get3A_1358 : vector<16xf32>
          %mul3A_1365 = arith.mulf %get3A_1346, %get3A_1352 : vector<16xf32>
          %sub3A_1366 = arith.subf %mul3A_1364, %mul3A_1365 : vector<16xf32>
          %mul3A_1367 = arith.mulf %unpack3A_1128, %sub3A_1366 : vector<16xf32>
          %add3A_1368 = arith.addf %add3A_1248, %mul3A_1367 : vector<16xf32>
          %add3A_1369 = arith.addf %add3A_1363, %add3A_1368 : vector<16xf32>
          %add3A_1370 = arith.constant 3 : i32
          %add3A_1371 = arith.addi %mul3A_160, %add3A_1370 : i32
          %swap3A_1372 = arith.index_cast %add3A_1371 : i32 to index
          %swap3A_1373 = arith.constant 0 : index
          %swap3A_1374 = tpu.vector_load %arg13[%swap3A_1372, %swap3A_1373] {strides = array<i32>} : memref<16x17xf32, #tpu.memory_space<vmem>>, vector<16xf32>,
          tpu.vector_store %arg13[%swap3A_1372, %swap3A_1373], %add3A_1369 {strides = array<i32>} : memref<16x17xf32, #tpu.memory_space<vmem>>, vector<16xf32>,
          %add3A_1375 = arith.addf %add3A_1333, %add3A_1338 : vector<16xf32>
          %add3A_1376 = arith.constant 2 : i32
          %add3A_1377 = arith.addi %mul3A_160, %add3A_1376 : i32
          %swap3A_1378 = arith.index_cast %add3A_1377 : i32 to index
          %swap3A_1379 = arith.constant 0 : index
          %swap3A_1380 = tpu.vector_load %arg13[%swap3A_1378, %swap3A_1379] {strides = array<i32>} : memref<16x17xf32, #tpu.memory_space<vmem>>, vector<16xf32>,
          tpu.vector_store %arg13[%swap3A_1378, %swap3A_1379], %add3A_1375 {strides = array<i32>} : memref<16x17xf32, #tpu.memory_space<vmem>>, vector<16xf32>,
          %add3A_1381 = arith.addf %add3A_1303, %add3A_1308 : vector<16xf32>
          %add3A_1382 = arith.constant 1 : i32
          %add3A_1383 = arith.addi %mul3A_160, %add3A_1382 : i32
          %swap3A_1384 = arith.index_cast %add3A_1383 : i32 to index
          %swap3A_1385 = arith.constant 0 : index
          %swap3A_1386 = tpu.vector_load %arg13[%swap3A_1384, %swap3A_1385] {strides = array<i32>} : memref<16x17xf32, #tpu.memory_space<vmem>>, vector<16xf32>,
          tpu.vector_store %arg13[%swap3A_1384, %swap3A_1385], %add3A_1381 {strides = array<i32>} : memref<16x17xf32, #tpu.memory_space<vmem>>, vector<16xf32>,
          %add3A_1387 = arith.addf %add3A_1273, %add3A_1278 : vector<16xf32>
          %add3A_1388 = arith.constant 0 : i32
          %add3A_1389 = arith.addi %mul3A_160, %add3A_1388 : i32
          %swap3A_1390 = arith.index_cast %add3A_1389 : i32 to index
          %swap3A_1391 = arith.constant 0 : index
          %swap3A_1392 = tpu.vector_load %arg13[%swap3A_1390, %swap3A_1391] {strides = array<i32>} : memref<16x17xf32, #tpu.memory_space<vmem>>, vector<16xf32>,
          tpu.vector_store %arg13[%swap3A_1390, %swap3A_1391], %add3A_1387 {strides = array<i32>} : memref<16x17xf32, #tpu.memory_space<vmem>>, vector<16xf32>,
        }
        %scan3A_92 = arith.constant 4 : i32
        %broadcast_in_dim3A = arith.constant 0 : i32
        %broadcast_in_dim3A_93 = vector.broadcast %broadcast_in_dim3A : i32 to vector<16xi32>
        %gather3A = tpu.vector_load_idx %arg13[%iota3A, %broadcast_in_dim3A_93] : memref<16x17xf32, #tpu.memory_space<vmem>>[vector<16xi32>, vector<16xi32>], vector<16xf32>,
        %broadcast_in_dim3A_94 = arith.constant 1 : i32
        %broadcast_in_dim3A_95 = vector.broadcast %broadcast_in_dim3A_94 : i32 to vector<16xi32>
        %gather3A_96 = tpu.vector_load_idx %arg13[%iota3A, %broadcast_in_dim3A_95] : memref<16x17xf32, #tpu.memory_space<vmem>>[vector<16xi32>, vector<16xi32>], vector<16xf32>,
        %broadcast_in_dim3A_97 = arith.constant 2 : i32
        %broadcast_in_dim3A_98 = vector.broadcast %broadcast_in_dim3A_97 : i32 to vector<16xi32>
        %gather3A_99 = tpu.vector_load_idx %arg13[%iota3A, %broadcast_in_dim3A_98] : memref<16x17xf32, #tpu.memory_space<vmem>>[vector<16xi32>, vector<16xi32>], vector<16xf32>,
        %broadcast_in_dim3A_100 = arith.constant 3 : i32
        %broadcast_in_dim3A_101 = vector.broadcast %broadcast_in_dim3A_100 : i32 to vector<16xi32>
        %gather3A_102 = tpu.vector_load_idx %arg13[%iota3A, %broadcast_in_dim3A_101] : memref<16x17xf32, #tpu.memory_space<vmem>>[vector<16xi32>, vector<16xi32>], vector<16xf32>,
        %broadcast_in_dim3A_103 = arith.constant 4 : i32
        %broadcast_in_dim3A_104 = vector.broadcast %broadcast_in_dim3A_103 : i32 to vector<16xi32>
        %gather3A_105 = tpu.vector_load_idx %arg13[%iota3A, %broadcast_in_dim3A_104] : memref<16x17xf32, #tpu.memory_space<vmem>>[vector<16xi32>, vector<16xi32>], vector<16xf32>,
        %broadcast_in_dim3A_106 = arith.constant 5 : i32
        %broadcast_in_dim3A_107 = vector.broadcast %broadcast_in_dim3A_106 : i32 to vector<16xi32>
        %gather3A_108 = tpu.vector_load_idx %arg13[%iota3A, %broadcast_in_dim3A_107] : memref<16x17xf32, #tpu.memory_space<vmem>>[vector<16xi32>, vector<16xi32>], vector<16xf32>,
        %broadcast_in_dim3A_109 = arith.constant 6 : i32
        %broadcast_in_dim3A_110 = vector.broadcast %broadcast_in_dim3A_109 : i32 to vector<16xi32>
        %gather3A_111 = tpu.vector_load_idx %arg13[%iota3A, %broadcast_in_dim3A_110] : memref<16x17xf32, #tpu.memory_space<vmem>>[vector<16xi32>, vector<16xi32>], vector<16xf32>,
        %broadcast_in_dim3A_112 = arith.constant 7 : i32
        %broadcast_in_dim3A_113 = vector.broadcast %broadcast_in_dim3A_112 : i32 to vector<16xi32>
        %gather3A_114 = tpu.vector_load_idx %arg13[%iota3A, %broadcast_in_dim3A_113] : memref<16x17xf32, #tpu.memory_space<vmem>>[vector<16xi32>, vector<16xi32>], vector<16xf32>,
        %broadcast_in_dim3A_115 = arith.constant 8 : i32
        %broadcast_in_dim3A_116 = vector.broadcast %broadcast_in_dim3A_115 : i32 to vector<16xi32>
        %gather3A_117 = tpu.vector_load_idx %arg13[%iota3A, %broadcast_in_dim3A_116] : memref<16x17xf32, #tpu.memory_space<vmem>>[vector<16xi32>, vector<16xi32>], vector<16xf32>,
        %broadcast_in_dim3A_118 = arith.constant 9 : i32
        %broadcast_in_dim3A_119 = vector.broadcast %broadcast_in_dim3A_118 : i32 to vector<16xi32>
        %gather3A_120 = tpu.vector_load_idx %arg13[%iota3A, %broadcast_in_dim3A_119] : memref<16x17xf32, #tpu.memory_space<vmem>>[vector<16xi32>, vector<16xi32>], vector<16xf32>,
        %broadcast_in_dim3A_121 = arith.constant 10 : i32
        %broadcast_in_dim3A_122 = vector.broadcast %broadcast_in_dim3A_121 : i32 to vector<16xi32>
        %gather3A_123 = tpu.vector_load_idx %arg13[%iota3A, %broadcast_in_dim3A_122] : memref<16x17xf32, #tpu.memory_space<vmem>>[vector<16xi32>, vector<16xi32>], vector<16xf32>,
        %broadcast_in_dim3A_124 = arith.constant 11 : i32
        %broadcast_in_dim3A_125 = vector.broadcast %broadcast_in_dim3A_124 : i32 to vector<16xi32>
        %gather3A_126 = tpu.vector_load_idx %arg13[%iota3A, %broadcast_in_dim3A_125] : memref<16x17xf32, #tpu.memory_space<vmem>>[vector<16xi32>, vector<16xi32>], vector<16xf32>,
        %broadcast_in_dim3A_127 = arith.constant 12 : i32
        %broadcast_in_dim3A_128 = vector.broadcast %broadcast_in_dim3A_127 : i32 to vector<16xi32>
        %gather3A_129 = tpu.vector_load_idx %arg13[%iota3A, %broadcast_in_dim3A_128] : memref<16x17xf32, #tpu.memory_space<vmem>>[vector<16xi32>, vector<16xi32>], vector<16xf32>,
        %broadcast_in_dim3A_130 = arith.constant 13 : i32
        %broadcast_in_dim3A_131 = vector.broadcast %broadcast_in_dim3A_130 : i32 to vector<16xi32>
        %gather3A_132 = tpu.vector_load_idx %arg13[%iota3A, %broadcast_in_dim3A_131] : memref<16x17xf32, #tpu.memory_space<vmem>>[vector<16xi32>, vector<16xi32>], vector<16xf32>,
        %broadcast_in_dim3A_133 = arith.constant 14 : i32
        %broadcast_in_dim3A_134 = vector.broadcast %broadcast_in_dim3A_133 : i32 to vector<16xi32>
        %gather3A_135 = tpu.vector_load_idx %arg13[%iota3A, %broadcast_in_dim3A_134] : memref<16x17xf32, #tpu.memory_space<vmem>>[vector<16xi32>, vector<16xi32>], vector<16xf32>,
        %broadcast_in_dim3A_136 = arith.constant 15 : i32
        %broadcast_in_dim3A_137 = vector.broadcast %broadcast_in_dim3A_136 : i32 to vector<16xi32>
        %gather3A_138 = tpu.vector_load_idx %arg13[%iota3A, %broadcast_in_dim3A_137] : memref<16x17xf32, #tpu.memory_space<vmem>>[vector<16xi32>, vector<16xi32>], vector<16xf32>,
        %add3A_139 = arith.addf %gather3A, %gather3A_96 : vector<16xf32>
        %add3A_140 = arith.addf %gather3A_99, %gather3A_102 : vector<16xf32>
        %add3A_141 = arith.addf %gather3A_105, %gather3A_108 : vector<16xf32>
        %add3A_142 = arith.addf %gather3A_111, %gather3A_114 : vector<16xf32>
        %add3A_143 = arith.addf %gather3A_117, %gather3A_120 : vector<16xf32>
        %add3A_144 = arith.addf %gather3A_123, %gather3A_126 : vector<16xf32>
        %add3A_145 = arith.addf %gather3A_129, %gather3A_132 : vector<16xf32>
        %add3A_146 = arith.addf %gather3A_135, %gather3A_138 : vector<16xf32>
        %add3A_147 = arith.addf %add3A_139, %add3A_140 : vector<16xf32>
        %add3A_148 = arith.addf %add3A_141, %add3A_142 : vector<16xf32>
        %add3A_149 = arith.addf %add3A_143, %add3A_144 : vector<16xf32>
        %add3A_150 = arith.addf %add3A_145, %add3A_146 : vector<16xf32>
        %add3A_151 = arith.addf %add3A_147, %add3A_148 : vector<16xf32>
        %add3A_152 = arith.addf %add3A_149, %add3A_150 : vector<16xf32>
        %add3A_153 = arith.addf %add3A_151, %add3A_152 : vector<16xf32>
        %mul3A_154 = arith.constant 64 : i32
        %mul3A_155 = arith.muli %scan3A_50, %mul3A_154 : i32
        %add3A_156 = arith.addi %mul3A_155, %mul3A_86 : i32
        %swap3A = arith.index_cast %add3A_156 : i32 to index
        %swap3A_157 = tpu.vector_load %arg14[%swap3A] {strides = array<i32>} : memref<512xf32, #tpu.memory_space<vmem>>, vector<16xf32>,
        tpu.vector_store %arg14[%swap3A], %add3A_153 {strides = array<i32>} : memref<512xf32, #tpu.memory_space<vmem>>, vector<16xf32>,
      }
      %scan3A_83 = arith.constant 4 : i32
    }
    %scan3A_47 = arith.constant 8 : i32
    %mul3A_48 = arith.constant 512 : i32
    %mul3A_49 = arith.muli %add3A, %mul3A_48 : i32
    "tpu.region"() ({
      %run_scoped3A = tpu.sem_alloc : memref<!tpu.dma_semaphore, #tpu.memory_space<semaphore_mem>>
      %dma_start3A_50 = tpu.memref_slice %arg7[%mul3A_49] : memref<16384xf32, #tpu.memory_space<hbm>> -> memref<512xf32, #tpu.memory_space<hbm>>
      %dma_start3A_51 = tpu.memref_slice %arg7[%mul3A_49] : memref<16384xf32, #tpu.memory_space<hbm>> -> memref<512xf32, #tpu.memory_space<hbm>>
      tpu.enqueue_dma source(%arg14 : memref<512xf32, #tpu.memory_space<vmem>>) target(%dma_start3A_51 : memref<512xf32, #tpu.memory_space<hbm>>) target_semaphore(%run_scoped3A : memref<!tpu.dma_semaphore, #tpu.memory_space<semaphore_mem>>)
      %dma_wait3A_52 = tpu.memref_slice %arg7[%mul3A_49] : memref<16384xf32, #tpu.memory_space<hbm>> -> memref<512xf32, #tpu.memory_space<hbm>>
      %dma_wait3A_53 = tpu.memref_slice %arg7[%mul3A_49] : memref<16384xf32, #tpu.memory_space<hbm>> -> memref<512xf32, #tpu.memory_space<hbm>>
      tpu.wait_dma2 semaphore(%run_scoped3A : memref<!tpu.dma_semaphore, #tpu.memory_space<semaphore_mem>>) src(%arg14 : memref<512xf32, #tpu.memory_space<vmem>>) dst(%dma_wait3A_53 : memref<512xf32, #tpu.memory_space<hbm>>)
      tpu.yield
    }) : () -> ()
    return
  }
}

</mosaic_0001>

<sc_bundles>
// kernel: _complex_score.3.cloned.1.call-start
scs
__scs_entry_jumppad:
0x0: {  	(pc) =	sbr.rel $0x88, $3  }
0x1: {  	(tag) =	ssettag $0x0;
	lr =	simm.s32 $0x1  }
0x2: {  	[smem:$0x3F9A] =	sst lr;
	_ =	strace $0xD0000000  }
0x3: {  	_ = 	snop  }
0x4: {  	_ = 	snop  }
0x5: {  	_ = 	snop  }
0x6: {  	_ = 	snop  }
0x7: {  	_ = 	snop  }
__scs_overlays_trampoline_lowered:
0x8: {  	[smem:$0x3FA9] =	sst s0  }
0x9: {  	[smem:$0x3FAA] =	sst s1  }
0xa: {  	[smem:$0x3FAB] =	sst s2  }
0xb: {  	[smem:$0x3FAC] =	sst s3  }
0xc: {  	[smem:$0x3FAD] =	sst s4  }
0xd: {  	[smem:$0x3FAE] =	sst s5  }
0xe: {  	[smem:$0x3FAF] =	sst s6  }
0xf: {  	[smem:$0x3FB0] =	sst s7  }
0x10: {  	[smem:$0x3FB1] =	sst s8  }
0x11: {  	[smem:$0x3FB2] =	sst s9;
	s0 =	simm.s32 @!p0 $0x0  }
0x12: {  	s1 =	sld [smem:$0x3F98];
	s0 =	simm.s32 @p0 $0x1  }
0x13: {  	[smem:$0x3FB3] =	sst s0;
	s0 =	simm.s32 @!p1 $0x0  }
0x14: {  	s2 =	sld [smem:$0x3F97];
	s0 =	simm.s32 @p1 $0x1  }
0x15: {  	[smem:$0x3FB4] =	sst s0;
	s0 =	simm.s32 @!p2 $0x0  }
0x16: {  	s3 =	sld [smem:$0x3FDB];
	s0 =	simm.s32 @p2 $0x1  }
0x17: {  	s4 =	simm.s32 $0x1BF5;
	[smem:$0x3FB6] =	sst s0  }
0x18: {  	s0 =	sld [smem:$0x3F99];
	_ =	swait.ge [sflag:s4], $0x0  }
0x19: {  	s7 =	sld [smem:$0x3F9A]  }
0x1a: {  	s8 =	sadd.s32 $0xFFFFE003, lr  }
0x1b: {  	s9 =	sadd.s32 $0xFFFFFEF7, lr;
	s5 =	simm.s32 $0xFFFFFFFF;
	p2 =	slt.u32 s8, $0xFFFFF086  }
0x1c: {  	p1 =	slt.u32 s9, $0xF7A;
	s5 =	simm.s32 @!p2 $0x0  }
0x1d: {  	s5 =	simm.s32 @p1 $0x1;
	p0 =	seq.s32 s7, s2  }
0x1e: {  	s7 =	smul.u32 @!p0 $0xF7A, s2;
	p2 =	seq.s32 @!p0 s5, $0x0  }
0x1f: {  	s9 =	smul.u32 $0xF7A, s1;
	s8 =	simm.s32 @!p0 $0x1BF5;
	p2 =	por !p2, p0  }
0x20: {  	[sflag:s8] =	ssyncset.s32 @!p0 $0xFFFFF086;
	s6 =	sadd.s32 @!p0 s3, s7;
	s7 =	simm.s32 @!p0 $0x108  }
0x21: {  	s3 =	sadd.s32 s3, s9;
	s6 =	sadd.s32 @!p0 $0x88, s6;
	s7 =	simm.s32 @p2 $0x1082  }
0x22: {  	[simem:s7], [sflag:s8] =	dma.local @!p0 [hbm:s6], $0xF7A  }
0x23: {  	s9 =	sor.u32 $0xD0000000, s2;
	s6 =	simm.s32 $0x108;
	_ =	swait.ge @!p0 [sflag:s8], $0x0  }
0x24: {  	s3 =	sadd.s32 $0x88, s3;
	s6 =	simm.s32 @!p1 $0x1082;
	[sflag:s4] =	ssyncset.s32 $0xFFFFF086  }
0x25: {  	[simem:s6], [sflag:s4] =	dma.local [hbm:s3], $0xF7A  }
0x26: {  	[smem:$0x3F9A] =	sst s1;
	(tag) =	ssettag s2;
	_ =	strace s9  }
0x27: {  	s1 =	sld [smem:$0x3FAA]  }
0x28: {  	s2 =	sld [smem:$0x3FAB]  }
0x29: {  	s4 =	sld [smem:$0x3FAD]  }
0x2a: {  	p0 =	seq.s32 s5, $0x0;
	s5 =	sld [smem:$0x3FAE]  }
0x2b: {  	s6 =	sld [smem:$0x3FAF]  }
0x2c: {  	s7 =	sld [smem:$0x3FB0]  }
0x2d: {  	s3 =	simm.s32 $0x108;
	s8 =	sld [smem:$0x3FB1]  }
0x2e: {  	s3 =	simm.s32 @!p0 $0x1082;
	s9 =	sld [smem:$0x3FB2]  }
0x2f: {  	lr =	sadd.s32 s0, s3;
	s0 =	sld [smem:$0x3FA9]  }
0x30: {  	s3 =	sld [smem:$0x3FAC]  }
0x31: {  	[smem:$0x3FB5] =	sst s10  }
0x32: {  	s10 =	sld [smem:$0x3FB3];
	_ =	sdelay $0x3  }
0x33: {  	p0 =	seq.s32 s10, $0x1;
	s10 =	sld [smem:$0x3FB5];
	_ =	sdelay $0x3  }
0x34: {  	[smem:$0x3FB5] =	sst s10  }
0x35: {  	s10 =	sld [smem:$0x3FB4];
	_ =	sdelay $0x3  }
0x36: {  	p1 =	seq.s32 s10, $0x1;
	s10 =	sld [smem:$0x3FB5];
	_ =	sdelay $0x3  }
0x37: {  	[smem:$0x3FB5] =	sst s10  }
0x38: {  	s10 =	sld [smem:$0x3FB6]  }
0x39: {  	_ = 	snop;
	(pc) =	sbr.ind lr, $3  }
0x3a: {  	_ = 	snop  }
0x3b: {  	_ = 	snop  }
0x3c: {  	p2 =	seq.s32 s10, $0x1;
	s10 =	sld [smem:$0x3FB5]  }
0x3d: {  	_ =	shalt  }
0x3e: {  	_ =	shalt  }
0x3f: {  	_ =	shalt  }
0x40: {  	_ =	shalt  }
0x41: {  	_ =	shalt  }
0x42: {  	_ =	shalt  }
0x43: {  	_ =	shalt  }
0x44: {  	_ =	shalt  }
0x45: {  	_ =	shalt  }
0x46: {  	_ =	shalt  }
0x47: {  	_ =	shalt  }
0x48: {  	_ =	shalt  }
0x49: {  	_ =	shalt  }
0x4a: {  	_ =	shalt  }
0x4b: {  	_ =	shalt  }
0x4c: {  	_ =	shalt  }
0x4d: {  	_ =	shalt  }
0x4e: {  	_ =	shalt  }
0x4f: {  	_ =	shalt  }
0x50: {  	_ =	shalt  }
0x51: {  	_ =	shalt  }
0x52: {  	_ =	shalt  }
0x53: {  	_ =	shalt  }
0x54: {  	_ =	shalt  }
0x55: {  	_ =	shalt  }
0x56: {  	_ =	shalt  }
0x57: {  	_ =	shalt  }
0x58: {  	_ =	shalt  }
0x59: {  	_ =	shalt  }
0x5a: {  	_ =	shalt  }
0x5b: {  	_ =	shalt  }
0x5c: {  	_ =	shalt  }
0x5d: {  	_ =	shalt  }
0x5e: {  	_ =	shalt  }
0x5f: {  	_ =	shalt  }
0x60: {  	_ =	shalt  }
0x61: {  	_ =	shalt  }
0x62: {  	_ =	shalt  }
0x63: {  	_ =	shalt  }
0x64: {  	_ =	shalt  }
0x65: {  	_ =	shalt  }
0x66: {  	_ =	shalt  }
0x67: {  	_ =	shalt  }
0x68: {  	_ =	shalt  }
0x69: {  	_ =	shalt  }
0x6a: {  	_ =	shalt  }
0x6b: {  	_ =	shalt  }
0x6c: {  	_ =	shalt  }
0x6d: {  	_ =	shalt  }
0x6e: {  	_ =	shalt  }
0x6f: {  	_ =	shalt  }
0x70: {  	_ =	shalt  }
0x71: {  	_ =	shalt  }
0x72: {  	_ =	shalt  }
0x73: {  	_ =	shalt  }
0x74: {  	_ =	shalt  }
0x75: {  	_ =	shalt  }
0x76: {  	_ =	shalt  }
0x77: {  	_ =	shalt  }
0x78: {  	_ =	shalt  }
0x79: {  	_ =	shalt  }
0x7a: {  	_ =	shalt  }
0x7b: {  	_ =	shalt  }
0x7c: {  	_ =	shalt  }
0x7d: {  	_ =	shalt  }
0x7e: {  	_ =	shalt  }
0x7f: {  	_ =	shalt  }
0x80: {  	_ =	shalt  }
0x81: {  	_ =	shalt  }
0x82: {  	_ =	shalt  }
0x83: {  	_ =	shalt  }
0x84: {  	_ =	shalt  }
0x85: {  	_ =	shalt  }
0x86: {  	_ =	shalt  }
0x87: {  	_ =	shalt  }
.Lfunc_end0:
.L_simem_size_0:
called_computation_lowered:
.L_overlay_start_0:
0x88: {  	s2 =	sld [smem:$0x3FD9]  }
0x89: {  	s3 =	sld [smem:$0x3FFE];
	_ =	sdelay $0x1  }
0x8a: {  	s1 =	srdreg.scid  }
0x8b: {  	s0 =	sand.u32 $0x1, s1  }
0x8c: {  	s17 =	sshll.u32 s0, $0xA;
	s2 =	sadd.s32 s3, s2  }
0x8d: {  	s2 =	sadd.s32 s2, s17  }
0x8e: {  	[smem:$0x3FC1] =	sst s2  }
0x8f: {  	_ = 	snop  }
0x90: {  	s2 =	sld [smem:$0x3FC8]  }
0x91: {  	s18 =	sld [smem:$0x3FC6]  }
0x92: {  	s4 =	sld [smem:$0x3FC5]  }
0x93: {  	s5 =	sld [smem:$0x3FD0];
	(tm) =	ssettm $0x1  }
0x94: {  	s6 =	sld [smem:$0x3FFB];
	_ =	sdelay $0x3  }
0x95: {  	_ =	strace s6  }
0x96: {  	s6 =	sld [smem:$0x3FFC];
	_ =	sdelay $0x3  }
0x97: {  	_ =	strace s6  }
0x98: {  	s6 =	sld [smem:$0x3FFD];
	_ =	sdelay $0x3  }
0x99: {  	_ =	strace s6  }
0x9a: {  	_ =	strace $0x8FFFFFFF  }
0x9b: {  	s19 =	sld [smem:$0x3FDB];
	_ =	sdelay $0x1  }
0x9c: {  	s7 =	simm.s32 $_scs_section_size  }
0x9d: {  	s8 =	simm.s32 $_size__tile_overlayer_lowered;
	s9 =	simm.s32 $_tile_overlayer_lowered  }
0x9e: {  	s22 =	simm.s32 $0x1BFF;
	s21 =	sshll.u32 s9, $0x1;
	s6 =	sadd.s32 s7, s19  }
0x9f: {  	s10 =	simm.s32 $0x0;
	s20 =	sshll.u32 s8, $0x1;
	s8 =	sadd.s32 s21, s6  }
0xa0: {  	[timem:s10], [sflag:s22] =	dma.local [hbm:s8], s20  }
0xa1: {  	_ =	swait.ge [sflag:s22], s20  }
0xa2: {  	s7 =	ssub.s32 $0x0, s20;
	[sflag:s22] =	ssyncset.done $0x0  }
0xa3: {  	[sflag:s22] =	ssyncadd.s32 s7;
	_ =	sdelay $0x1  }
0xa4: {  	s23 =	simm.s32 $0x1B8B  }
0xa5: {  	_ =	swait.ge [sflag:s23], $0x1  }
0xa6: {  	[sflag:s23] =	ssyncset.done $0x0  }
0xa7: {  	s25 =	simm.s32 $0x1B8E;
	s24 =	sld [smem:$0x3FFE];
	[sflag:s23] =	ssyncadd.s32 $0xFFFFFFFF  }
0xa8: {  	s26 =	simm.s32 $execute0_lowered;
	[smem:$0x3FD2] =	sst s25  }
0xa9: {  	s8 =	sshll.u32 s26, $0x1;
	_ =	strace $0x80000046;
	[dreg:$0x1] =	wrdreg $0xFFFFFFFF  }
0xaa: {  	s28 =	simm.s32 $_size_execute0_lowered;
	s6 =	sadd.s32 s6, s8;
	[dreg:$0x0] =	wrdreg $0x0  }
0xab: {  	s8 =	sshll.u32 s28, $0x1;
	[dreg:$0x2] =	wrdreg s6  }
0xac: {  	[dreg:$0x3] =	wrdreg s8  }
0xad: {  	[dreg:$0x4] =	wrdreg $0xC0  }
0xae: {  	_ =	task [dreg:s10], $0x5FFFF  }
0xaf: {  	[dreg:$0x1] =	wrdreg $0xFFFFFFFF  }
0xb0: {  	[dreg:$0x0] =	wrdreg $0x60  }
0xb1: {  	[dreg:$0x2] =	wrdreg s24  }
0xb2: {  	[dreg:$0x3] =	wrdreg s2  }
0xb3: {  	[dreg:$0x4] =	wrdreg s18  }
0xb4: {  	[dreg:$0x5] =	wrdreg s4  }
0xb5: {  	[dreg:$0x6] =	wrdreg s5  }
0xb6: {  	[dreg:$0x7] =	wrdreg $0x9  }
0xb7: {  	_ =	task.clear_ibuf [dreg:s10], $0x8FFFF;
	_ =	strace $0x90000046  }
0xb8: {  	s29 =	simm.s32 $0x9;
	_ =	strace $0x80000048  }
0xb9: {  	_ =	swait.ge [sflag:s29], $0x1  }
0xba: {  	[sflag:s29] =	ssyncadd.s32 $0xFFFFFFFF  }
0xbb: {  	_ =	strace $0x90000048  }
0xbc: {  	_ =	sfence  }
0xbd: {  	s30 =	sld [smem:$0x0];
	_ =	sdelay $0x2  }
0xbe: {  	s31 =	sshll.u32 s1, $0xD;
	s1 =	sshrl.u32 s1, $0x2  }
0xbf: {  	s3 =	sand.u32 $0x4000, s31;
	s1 =	sadd.s32 s1, s30  }
0xc0: {  	s0 =	sor.u32 s3, s0;
	s1 =	sshll.u32 s1, $0x11  }
0xc1: {  	s0 =	sor.u32 s1, s0  }
0xc2: {  	s0 =	sadd.s32 $0x8F2B, s0  }
0xc3: {  	[sflag:s0] =	ssyncadd.remote.s32 $0x1  }
0xc4: {  	_ =	sfence.sel $0xFFFF  }
0xc5: {  	[dreg:$0x0] =	wrdreg $0xFFFFFFFF;
	(pc) =	sbr.abs _section_cstart, $3  }
0xc6: {  	[dreg:$0x1] =	wrdreg $0xFFFFFFFF  }
0xc7: {  	_ =	task.clear_ibuf [dreg:s10], $0x2FFFF;
	_ =	strace $0x9FFFFFFF  }
0xc8: {  	(tm) =	ssettm $0x7FFFFFFF  }
0xc9: {  	_ =	shalt  }
tec
execute0_lowered:
.L_overlay_start_1:
0x0: {  	(tag) =	ssettag $0x1  }
0x1: {  	s0 =	rddreg [dreg:$0x0]  }
0x2: {  	s7 =	rddreg [dreg:$0x1]  }
0x3: {  	s2 =	rddreg [dreg:$0x2]  }
0x4: {  	s4 =	rddreg [dreg:$0x3];
	s3 =	srdreg.scid  }
0x5: {  	s1 =	stileid.u32;
	s8 =	rddreg [dreg:$0x4];
	s5 =	simm.s32 $0x0  }
0x6: {  	s12 =	simm.s32 $0x2;
	s13 =	simm.s32 $0x80;
	s14 =	simm.s32 $0x600  }
0x7: {  	s15 =	simm.s32 $0x8600;
	s16 =	simm.s32 $0x40;
	s17 =	simm.s32 $0x10600  }
0x8: {  	s18 =	simm.s32 $0x14600;
	s19 =	simm.s32 $0x14E00;
	s20 =	simm.s32 $0x3  }
0x9: {  	s21 =	simm.s32 $0x0;
	s6 =	sand.u32 $0x1, s3;
	s9 =	sshll.u32 s1, $0x1  }
0xa: {  	[smem:$0x7FF] =	sst s5;
	s9 =	sor.u32 s6, s9;
	s6 =	ssub.s32 $0x2, s6  }
0xb: {  	_ =	strace $0x80000047;
	s10 =	sshll.u32 s9, $0x7;
	s11 =	sshrl.u32 s6, $0x1  }
0xc: {  	s9 =	sshll.u32 s9, $0x6;
	s10 =	sadd.s32 s10, s0;
	s11 =	ssub.s32 s6, s11  }
0xd: {  	v0 =	vlaneseq.u32;
	s7 =	sadd.s32 s7, s9;
	s8 =	sadd.s32 s8, s9;
	s6 =	sadd.s32 $0x4000, s10  }
0xe: {  	v0 =	vmul.u32 $0x80, v0;
	s9 =	smax.u32 s11, $0x1;
	s10 =	simm.s32 $0x400;
	s11 =	simm.s32 $0x1  }
.LBB2_1:
0xf: {  	[tilespmem:s5], [sflag:$0x1] =	stream.linear.gather [hbm4b:s6+s5], $0x400, $0x38;
	[tilespmem:$0x15000] =	vst v63  }
0x10: {  	_ = 	snop  }
0x11: {  	[tilespmem:s10], [sflag:$0x2] =	stream.linear.gather [hbm4b:s7+s5], $0x200, $0x38;
	[tilespmem:$0x15000] =	vst v63  }
0x12: {  	_ =	swait.ge [sflag:s11], $0x400  }
0x13: {  	[sflag:s11] =	ssyncset.done $0x0  }
0x14: {  	[sflag:s11] =	ssyncadd.s32 $0xFFFFFC00  }
0x15: {  	_ =	swait.ge [sflag:s12], $0x200  }
0x16: {  	[sflag:s12] =	ssyncset.done $0x0  }
0x17: {  	[sflag:s12] =	ssyncadd.s32 $0xFFFFFE00  }
0x18: {  	[tilespmem:s14], [sflag:$0x1] =	stream.indirect.gather [hbm4b:s2+s13], $0x80, s5, s13, $0xb8;
	[tilespmem:$0x15000] =	vst v63  }
0x19: {  	_ = 	snop  }
0x1a: {  	[tilespmem:s15], [sflag:$0x1] =	stream.indirect.gather [hbm4b:s4+s13], $0x80, s5, s13, $0xb8;
	[tilespmem:$0x15000] =	vst v63  }
0x1b: {  	p0 =	por $0x0, $0x0;
	s22 =	simm.s32 $0x0  }
0x1c: {  	[tilespmem:s17], [sflag:$0x1] =	stream.indirect.gather [hbm4b:s0+s16], $0x80, s10, s16, $0xb8;
	[tilespmem:$0x15000] =	vst v63  }
.LBB2_3:
0x1d: {  	s23 =	sand.u32 $0x1, s22  }
0x1e: {  	s25 =	smov.u32 s22;
	s22 =	sadd.s32 $0x1, s22;
	p1 =	seq.s32 s23, $0x1  }
0x1f: {  	s24 =	sshll.u32 @!p1 s22, $0x7  }
0x20: {  	s26 =	simm.s32 @!p1 $0x80;
	s28 =	simm.s32 @!p1 $0x4600;
	s24 =	sand.u32 @!p1 $0x3FFFFF80, s24  }
0x21: {  	[tilespmem:s28], [sflag:$0x2] =	stream.indirect.gather @!p1 [hbm4b:s2+s26], $0x80, s24, s26, $0xb8;
	[tilespmem:$0x15000] =	vst v63  }
0x22: {  	s28 =	simm.s32 @!p1 $0xC600  }
0x23: {  	[tilespmem:s28], [sflag:$0x2] =	stream.indirect.gather @!p1 [hbm4b:s4+s26], $0x80, s24, s26, $0xb8;
	[tilespmem:$0x15000] =	vst v63  }
0x24: {  	p2 =	seq.s32 s25, $0x7;
	s24 =	sshll.u32 @!p1 s22, $0x6  }
0x25: {  	p2 =	por !p1, p2;
	s24 =	sand.u32 @!p1 $0x3FFFFFC0, s24  }
0x26: {  	s26 =	simm.s32 @!p1 $0x40;
	s28 =	simm.s32 @!p1 $0x12600;
	s24 =	sadd.s32 @!p1 $0x400, s24  }
0x27: {  	[tilespmem:s28], [sflag:$0x2] =	stream.indirect.gather @!p1 [hbm4b:s0+s26], $0x80, s24, s26, $0xb8;
	[tilespmem:$0x15000] =	vst v63  }
0x28: {  	s24 =	sshll.u32 @!p2 s22, $0x7  }
0x29: {  	s26 =	simm.s32 @!p2 $0x80;
	s28 =	simm.s32 @!p2 $0x600;
	s24 =	sand.u32 @!p2 $0x3FFFFF80, s24  }
0x2a: {  	[tilespmem:s28], [sflag:$0x1] =	stream.indirect.gather @!p2 [hbm4b:s2+s26], $0x80, s24, s26, $0xb8;
	[tilespmem:$0x15000] =	vst v63  }
0x2b: {  	s28 =	simm.s32 @!p2 $0x8600  }
0x2c: {  	[tilespmem:s28], [sflag:$0x1] =	stream.indirect.gather @!p2 [hbm4b:s4+s26], $0x80, s24, s26, $0xb8;
	[tilespmem:$0x15000] =	vst v63  }
0x2d: {  	s24 =	sshll.u32 @!p2 s22, $0x6  }
0x2e: {  	s24 =	sand.u32 @!p2 $0x3FFFFFC0, s24  }
0x2f: {  	s26 =	simm.s32 @!p2 $0x40;
	s28 =	simm.s32 @!p2 $0x10600;
	s24 =	sadd.s32 @!p2 $0x400, s24  }
0x30: {  	[tilespmem:s28], [sflag:$0x1] =	stream.indirect.gather @!p2 [hbm4b:s0+s26], $0x80, s24, s26, $0xb8;
	[tilespmem:$0x15000] =	vst v63  }
0x31: {  	p2 =	sne.s32 s23, $0x0  }
0x32: {  	s23 =	simm.s32 @!p2 $0x1  }
0x33: {  	_ =	swait.ge @!p2 [sflag:s23], $0x4000  }
0x34: {  	[sflag:s23] =	ssyncset.done @!p2 $0x0  }
0x35: {  	[sflag:s23] =	ssyncadd.s32 @!p2 $0xFFFFC000  }
0x36: {  	_ =	swait.ge @!p2 [sflag:s23], $0x4000  }
0x37: {  	[sflag:s23] =	ssyncset.done @!p2 $0x0  }
0x38: {  	[sflag:s23] =	ssyncadd.s32 @!p2 $0xFFFFC000  }
0x39: {  	_ =	swait.ge @!p2 [sflag:s23], $0x2000  }
0x3a: {  	[sflag:s23] =	ssyncset.done @!p2 $0x0  }
0x3b: {  	s28 =	simm.s32 @p1 $0x2;
	[sflag:s23] =	ssyncadd.s32 @!p2 $0xFFFFE000  }
0x3c: {  	_ =	swait.ge @p1 [sflag:s28], $0x4000  }
0x3d: {  	[sflag:s28] =	ssyncset.done @p1 $0x0  }
0x3e: {  	[sflag:s28] =	ssyncadd.s32 @p1 $0xFFFFC000  }
0x3f: {  	s29 =	sshll.u32 s25, $0x6;
	_ =	swait.ge @p1 [sflag:s28], $0x4000  }
0x40: {  	s29 =	sand.u32 $0x3FFFFFC0, s29;
	s26 =	simm.s32 $0x1;
	[sflag:s28] =	ssyncset.done @p1 $0x0  }
0x41: {  	s29 =	sadd.s32 $0x14E00, s29;
	s26 =	simm.s32 @!p0 $0x0;
	[sflag:s28] =	ssyncadd.s32 @p1 $0xFFFFC000  }
0x42: {  	s23 =	sshll.u32 s26, $0xE;
	s26 =	sshll.u32 s26, $0xD;
	_ =	swait.ge @p1 [sflag:s28], $0x2000  }
0x43: {  	s24 =	sor.u32 $0x2780, s23;
	s25 =	sor.u32 $0xA780, s23;
	[sflag:s28] =	ssyncset.done @p1 $0x0  }
0x44: {  	v1 =	vmov s29;
	s26 =	sor.u32 $0x107F0, s26;
	[sflag:s28] =	ssyncadd.s32 @p1 $0xFFFFE000;
	s28 =	simm.s32 $0x0  }
.LBB2_4:
0x45: {  	v2 =	vmov s26;
	_ =	sdelay $0x2  }
0x46: {  	v3 =	vmov s24;
	v4 =	vmov s25;
	s29 =	smov.u32 s23;
	s30 =	simm.s32 $0x0  }
.LBB2_5:
0x47: {  	s31 =	sshra.s32 s30, $0x2  }
0x48: {  	v23 =	vld.idx.msk [tilespmem:v2+s31+$0xFFFFFE10 ss:$0x1], $0xffff  }
0x49: {  	v24 =	vld.idx.msk [tilespmem:v2+s31+$0xFFFFFE50 ss:$0x1], $0xffff  }
0x4a: {  	v21 =	vld.idx.msk [tilespmem:v2+s31+$0xFFFFFE90 ss:$0x1], $0xffff  }
0x4b: {  	v22 =	vld.idx.msk [tilespmem:v2+s31+$0xFFFFFED0 ss:$0x1], $0xffff  }
0x4c: {  	v20 =	vld.idx.msk [tilespmem:v2+s31+$0xFFFFFF10 ss:$0x1], $0xffff  }
0x4d: {  	v14 =	vld.idx.msk [tilespmem:v2+s31+$0xFFFFFF50 ss:$0x1], $0xffff  }
0x4e: {  	v15 =	vld.idx.msk [tilespmem:v2+s31+$0xFFFFFF90 ss:$0x1], $0xffff  }
0x4f: {  	v13 =	vld.idx.msk [tilespmem:v2+s31+$0xFFFFFFD0 ss:$0x1], $0xffff  }
0x50: {  	v6 =	vld.idx.msk [tilespmem:v3+s31+$0xFFFFDE80 ss:$0x1], $0xffff  }
0x51: {  	v7 =	vld.idx.msk [tilespmem:v4+s31+$0xFFFFDE80 ss:$0x1], $0xffff  }
0x52: {  	v8 =	vld.idx.msk [tilespmem:v3+s31+$0xFFFFFE80 ss:$0x1], $0xffff  }
0x53: {  	v25 =	vld.idx.msk [tilespmem:v4+s31+$0xFFFFFE80 ss:$0x1], $0xffff  }
0x54: {  	v26 =	vld.idx.msk [tilespmem:v3+s31+$0xFFFFDF00 ss:$0x1], $0xffff  }
0x55: {  	v27 =	vld.idx.msk [tilespmem:v4+s31+$0xFFFFDF00 ss:$0x1], $0xffff  }
0x56: {  	v28 =	vld.idx.msk [tilespmem:v3+s31+$0xFFFFFF00 ss:$0x1], $0xffff  }
0x57: {  	v29 =	vld.idx.msk [tilespmem:v4+s31+$0xFFFFFF00 ss:$0x1], $0xffff  }
0x58: {  	v30 =	vld.idx.msk [tilespmem:v3+s31+$0xFFFFDF80 ss:$0x1], $0xffff  }
0x59: {  	v31 =	vld.idx.msk [tilespmem:v4+s31+$0xFFFFDF80 ss:$0x1], $0xffff  }
0x5a: {  	v32 =	vld.idx.msk [tilespmem:v3+s31+$0xFFFFFF80 ss:$0x1], $0xffff  }
0x5b: {  	v33 =	vld.idx.msk [tilespmem:v4+s31+$0xFFFFFF80 ss:$0x1], $0xffff  }
0x5c: {  	v34 =	vld.idx.msk [tilespmem:v3+s31+$0xFFFFE000 ss:$0x1], $0xffff  }
0x5d: {  	v35 =	vld.idx.msk [tilespmem:v4+s31+$0xFFFFE000 ss:$0x1], $0xffff  }
0x5e: {  	v36 =	vld.idx.msk [tilespmem:v3+s31+$0x0 ss:$0x1], $0xffff  }
0x5f: {  	v37 =	vld.idx.msk [tilespmem:v4+s31+$0x0 ss:$0x1], $0xffff  }
0x60: {  	v38 =	vld.idx.msk [tilespmem:v3+s31+$0xFFFFDE90 ss:$0x1], $0xffff  }
0x61: {  	s3 =	sor.u32 $0x2010, s29;
	v39 =	vld.idx.msk [tilespmem:v4+s31+$0xFFFFDE90 ss:$0x1], $0xffff  }
0x62: {  	v40 =	vld [tilespmem:s3+$0x600]  }
0x63: {  	v41 =	vld [tilespmem:s3+$0x8600]  }
0x64: {  	v42 =	vld.idx.msk [tilespmem:v3+s31+$0xFFFFDF10 ss:$0x1], $0xffff  }
0x65: {  	v43 =	vld.idx.msk [tilespmem:v4+s31+$0xFFFFDF10 ss:$0x1], $0xffff  }
0x66: {  	v46 =	vld.idx.msk [tilespmem:v3+s31+$0xFFFFDF90 ss:$0x1], $0xffff  }
0x67: {  	v47 =	vld.idx.msk [tilespmem:v4+s31+$0xFFFFDF90 ss:$0x1], $0xffff  }
0x68: {  	v16 =	vld.idx.msk [tilespmem:v3+s31+$0xFFFFE010 ss:$0x1], $0xffff  }
0x69: {  	v17 =	vld.idx.msk [tilespmem:v4+s31+$0xFFFFE010 ss:$0x1], $0xffff  }
0x6a: {  	v12 =	vld.idx.msk [tilespmem:v2+s31+$0xFFFFFE20 ss:$0x1], $0xffff  }
0x6b: {  	v11 =	vld.idx.msk [tilespmem:v2+s31+$0xFFFFFE60 ss:$0x1], $0xffff  }
0x6c: {  	v10 =	vld.idx.msk [tilespmem:v2+s31+$0xFFFFFEA0 ss:$0x1], $0xffff  }
0x6d: {  	v9 =	vld.idx.msk [tilespmem:v2+s31+$0xFFFFFEE0 ss:$0x1], $0xffff  }
0x6e: {  	s3 =	sor.u32 $0x2090, s29;
	v5 =	vld.idx.msk [tilespmem:v2+s31+$0xFFFFFF20 ss:$0x1], $0xffff  }
0x6f: {  	v44 =	vld [tilespmem:s3+$0x600]  }
0x70: {  	v45 =	vld [tilespmem:s3+$0x8600];
	s3 =	sor.u32 $0x2110, s29  }
0x71: {  	v48 =	vld [tilespmem:s3+$0x600]  }
0x72: {  	v49 =	vld [tilespmem:s3+$0x8600];
	s3 =	sor.u32 $0x2190, s29  }
0x73: {  	v18 =	vld [tilespmem:s3+$0x600]  }
0x74: {  	v19 =	vld [tilespmem:s3+$0x8600];
	v53 =	vmul.f32 v8, v6;
	v54 =	vmul.f32 v25, v7  }
0x75: {  	v25 =	vmul.f32 v25, v6;
	v8 =	vmul.f32 v8, v7;
	v6 =	vld.idx.msk [tilespmem:v2+s31+$0xFFFFFF60 ss:$0x1], $0xffff  }
0x76: {  	v50 =	vunpack.i.l.bf16.f32 v23;
	v60 =	vmul.f32 v28, v26;
	v7 =	vld.idx.msk [tilespmem:v2+s31+$0xFFFFFFA0 ss:$0x1], $0xffff;
	v62 =	vmul.f32 v32, v30  }
0x77: {  	s3 =	sor.u32 $0x2020, s29;
	v51 =	vunpack.i.l.bf16.f32 v24;
	v63 =	vmul.f32 v33, v31;
	v31 =	vmul.f32 v32, v31;
	v32 =	vld.idx.msk [tilespmem:v4+s31+$0xFFFFDEA0 ss:$0x1], $0xffff  }
0x78: {  	v52 =	vunpack.i.l.bf16.f32 v21;
	v56 =	vmul.f32 v29, v27;
	v26 =	vmul.f32 v29, v26;
	v29 =	vld [tilespmem:s3+$0x600]  }
0x79: {  	v55 =	vunpack.i.l.bf16.f32 v22;
	v30 =	vmul.f32 v33, v30;
	v25 =	vsub.f32 v25, v8;
	v8 =	vld.idx.msk [tilespmem:v2+s31+$0xFFFFFFE0 ss:$0x1], $0xffff  }
0x7a: {  	v27 =	vmul.f32 v28, v27;
	v57 =	vunpack.i.l.bf16.f32 v20;
	v61 =	vadd.f32 v56, v60;
	v56 =	vld.idx.msk [tilespmem:v3+s31+$0xFFFFDEA0 ss:$0x1], $0xffff  }
0x7b: {  	v58 =	vadd.f32 v63, v62;
	v30 =	vsub.f32 v30, v31;
	v31 =	vld [tilespmem:s3+$0x8600];
	v62 =	vmul.f32 v40, v38  }
0x7c: {  	v59 =	vunpack.i.l.bf16.f32 v14;
	v63 =	vmul.f32 v41, v39;
	v39 =	vmul.f32 v40, v39;
	v40 =	vld.idx.msk [tilespmem:v3+s31+$0xFFFFDFA0 ss:$0x1], $0xffff  }
0x7d: {  	v23 =	vunpack.i.u.bf16.f32 v23;
	v24 =	vunpack.i.u.bf16.f32 v24;
	v25 =	vmul.f32 v25, v51;
	v51 =	vld.idx.msk [tilespmem:v3+s31+$0xFFFFDF20 ss:$0x1], $0xffff  }
0x7e: {  	v21 =	vunpack.i.u.bf16.f32 v21;
	v60 =	vmul.f32 v36, v34;
	s3 =	sor.u32 $0x20A0, s29;
	v28 =	vmul.f32 v61, v52;
	v52 =	vld.idx.msk [tilespmem:v4+s31+$0xFFFFDF20 ss:$0x1], $0xffff  }
0x7f: {  	v53 =	vadd.f32 v54, v53;
	v34 =	vmul.f32 v37, v34;
	v61 =	vmul.f32 v37, v35;
	v37 =	vld [tilespmem:s3+$0x600]  }
0x80: {  	v26 =	vsub.f32 v26, v27;
	v38 =	vmul.f32 v41, v38;
	v27 =	vmul.f32 v58, v57;
	v57 =	vld [tilespmem:s3+$0x8600]  }
0x81: {  	v22 =	vunpack.i.u.bf16.f32 v22;
	v20 =	vunpack.i.u.bf16.f32 v20;
	v33 =	vmul.f32 v53, v50;
	v53 =	vld.idx.msk [tilespmem:v4+s31+$0xFFFFDFA0 ss:$0x1], $0xffff;
	s3 =	sor.u32 $0x2120, s29  }
0x82: {  	v54 =	vmul.f32 v45, v42;
	v35 =	vmul.f32 v36, v35;
	v38 =	vsub.f32 v38, v39;
	v39 =	vld [tilespmem:s3+$0x600]  }
0x83: {  	v14 =	vunpack.i.u.bf16.f32 v14;
	v26 =	vmul.f32 v26, v55;
	v30 =	vmul.f32 v30, v59;
	v41 =	vld [tilespmem:s3+$0x8600]  }
0x84: {  	v55 =	vmul.f32 v44, v43;
	v58 =	vmul.f32 v48, v46;
	s3 =	sor.u32 $0x21A0, s29;
	v34 =	vsub.f32 v34, v35;
	v35 =	vld.idx.msk [tilespmem:v3+s31+$0xFFFFE020 ss:$0x1], $0xffff  }
0x85: {  	v50 =	vadd.f32 v61, v60;
	v60 =	vadd.f32 v63, v62;
	v63 =	vmul.f32 v45, v43;
	v43 =	vld [tilespmem:s3+$0x600]  }
0x86: {  	v59 =	vmul.f32 v49, v47;
	v25 =	vadd.f32 $0.0e+00, v25;
	v24 =	vmul.f32 v38, v24;
	v45 =	vld [tilespmem:s3+$0x8600]  }
0x87: {  	v61 =	vunpack.i.l.bf16.f32 v15;
	v33 =	vadd.f32 $0.0e+00, v33;
	v62 =	vmul.f32 v44, v42;
	v42 =	vld.idx.msk [tilespmem:v3+s31+$0xFFFFDEB0 ss:$0x1], $0xffff  }
0x88: {  	v38 =	vld.idx.msk [tilespmem:v4+s31+$0xFFFFDEB0 ss:$0x1], $0xffff;
	v23 =	vmul.f32 v60, v23;
	v36 =	vmul.f32 v50, v61;
	v24 =	vadd.f32 v24, v25  }
0x89: {  	v50 =	vld.idx.msk [tilespmem:v4+s31+$0xFFFFE020 ss:$0x1], $0xffff;
	v25 =	vsub.f32 v54, v55;
	v61 =	vunpack.i.l.bf16.f32 v13;
	v54 =	vmul.f32 v18, v16  }
0x8a: {  	s3 =	sor.u32 $0x2030, s29;
	v28 =	vadd.f32 $0.0e+00, v28;
	v34 =	vmul.f32 v34, v61;
	v61 =	vmul.f32 v18, v17;
	v18 =	vld.idx.msk [tilespmem:v2+s31+$0xFFFFFEB0 ss:$0x1], $0xffff  }
0x8b: {  	v26 =	vadd.f32 $0.0e+00, v26;
	v60 =	vadd.f32 v59, v58;
	v22 =	vmul.f32 v25, v22;
	v25 =	vld [tilespmem:s3+$0x600]  }
0x8c: {  	v23 =	vadd.f32 v23, v33;
	v33 =	vadd.f32 v63, v62;
	v63 =	vmul.f32 v48, v47;
	v47 =	vld.idx.msk [tilespmem:v3+s31+$0xFFFFDF30 ss:$0x1], $0xffff  }
0x8d: {  	v27 =	vadd.f32 $0.0e+00, v27;
	v15 =	vunpack.i.u.bf16.f32 v15;
	v62 =	vmul.f32 v49, v46;
	v49 =	vld.idx.msk [tilespmem:v4+s31+$0xFFFFDF30 ss:$0x1], $0xffff  }
0x8e: {  	v30 =	vadd.f32 $0.0e+00, v30;
	v55 =	vmul.f32 v19, v17;
	v20 =	vmul.f32 v60, v20;
	v46 =	vld.idx.msk [tilespmem:v3+s31+$0xFFFFDFB0 ss:$0x1], $0xffff  }
0x8f: {  	v60 =	vmul.f32 v19, v16;
	v19 =	vld.idx.msk [tilespmem:v2+s31+$0xFFFFFEF0 ss:$0x1], $0xffff;
	v21 =	vmul.f32 v33, v21;
	v22 =	vadd.f32 v22, v26  }
0x90: {  	v33 =	vld [tilespmem:s3+$0x8600];
	v58 =	vsub.f32 v62, v63;
	v26 =	vadd.f32 v55, v54;
	v62 =	vmul.f32 v29, v56  }
0x91: {  	v59 =	vadd.f32 $0.0e+00, v36;
	v63 =	vmul.f32 v31, v32;
	v56 =	vmul.f32 v31, v56;
	v31 =	vld.idx.msk [tilespmem:v4+s31+$0xFFFFE030 ss:$0x1], $0xffff  }
0x92: {  	s3 =	sor.u32 $0x20B0, s29;
	v27 =	vadd.f32 v20, v27;
	v20 =	vld.idx.msk [tilespmem:v2+s31+$0xFFFFFE30 ss:$0x1], $0xffff;
	v14 =	vmul.f32 v58, v14;
	v15 =	vmul.f32 v26, v15  }
0x93: {  	v13 =	vunpack.i.u.bf16.f32 v13;
	v34 =	vadd.f32 $0.0e+00, v34;
	v44 =	vld [tilespmem:s3+$0x8600];
	v21 =	vadd.f32 v21, v28  }
0x94: {  	v28 =	vld [tilespmem:s3+$0x600];
	v58 =	vmul.f32 v29, v32;
	v30 =	vadd.f32 v14, v30;
	v48 =	vadd.f32 v15, v59  }
0x95: {  	v26 =	vld.idx.msk [tilespmem:v4+s31+$0xFFFFDFB0 ss:$0x1], $0xffff;
	v14 =	vsub.f32 v60, v61;
	v15 =	vadd.f32 v63, v62;
	v59 =	vmul.f32 v37, v51  }
0x96: {  	s3 =	sor.u32 $0x2130, s29;
	v29 =	vld.idx.msk [tilespmem:v3+s31+$0xFFFFE030 ss:$0x1], $0xffff;
	v60 =	vmul.f32 v57, v52;
	v61 =	vunpack.i.l.bf16.f32 v12;
	v16 =	vsub.f32 v56, v58  }
0x97: {  	v36 =	vld [tilespmem:s3+$0x600];
	v62 =	vunpack.i.l.bf16.f32 v11;
	v63 =	vunpack.i.l.bf16.f32 v10;
	v56 =	vunpack.i.l.bf16.f32 v9  }
0x98: {  	v54 =	vld [tilespmem:s3+$0x8600];
	s3 =	sor.u32 $0x21B0, s29;
	v58 =	vmul.f32 v57, v51;
	v57 =	vunpack.i.l.bf16.f32 v5;
	v12 =	vunpack.i.u.bf16.f32 v12  }
0x99: {  	v32 =	vld [tilespmem:s3+$0x600];
	v11 =	vunpack.i.u.bf16.f32 v11;
	v10 =	vunpack.i.u.bf16.f32 v10;
	v13 =	vmul.f32 v14, v13  }
0x9a: {  	v55 =	vld [tilespmem:s3+$0x8600];
	v9 =	vunpack.i.u.bf16.f32 v9;
	v14 =	vmul.f32 v15, v61;
	v15 =	vmul.f32 v16, v62  }
0x9b: {  	v51 =	vld.idx.msk [tilespmem:v4+s31+$0xFFFFDEC0 ss:$0x1], $0xffff;
	v17 =	vadd.f32 v60, v59;
	v59 =	vmul.f32 v37, v52;
	v60 =	vmul.f32 v39, v40  }
0x9c: {  	v5 =	vunpack.i.u.bf16.f32 v5;
	v61 =	vmul.f32 v41, v53;
	v40 =	vmul.f32 v41, v40;
	v16 =	vld.idx.msk [tilespmem:v2+s31+$0xFFFFFFF0 ss:$0x1], $0xffff  }
0x9d: {  	v39 =	vmul.f32 v39, v53;
	v34 =	vadd.f32 v13, v34;
	v13 =	vmul.f32 v17, v63;
	v17 =	vld.idx.msk [tilespmem:v2+s31+$0xFFFFFE70 ss:$0x1], $0xffff  }
0x9e: {  	v62 =	vmul.f32 v43, v35;
	v35 =	vmul.f32 v45, v35;
	v23 =	vadd.f32 v14, v23;
	v14 =	vld.idx.msk [tilespmem:v2+s31+$0xFFFFFF70 ss:$0x1], $0xffff  }
0x9f: {  	s3 =	sor.u32 $0x2040, s29;
	v53 =	vmul.f32 v28, v47;
	v24 =	vadd.f32 v15, v24;
	v39 =	vsub.f32 v40, v39;
	v40 =	vld.idx.msk [tilespmem:v3+s31+$0xFFFFDEC0 ss:$0x1], $0xffff  }
0xa0: {  	v15 =	vsub.f32 v58, v59;
	v37 =	vadd.f32 v61, v60;
	v61 =	vmul.f32 v43, v50;
	v43 =	vld [tilespmem:s3+$0x600]  }
0xa1: {  	v28 =	vmul.f32 v28, v49;
	v63 =	vmul.f32 v45, v50;
	v58 =	vunpack.i.l.bf16.f32 v6;
	v50 =	vld [tilespmem:s3+$0x8600]  }
0xa2: {  	v59 =	vunpack.i.l.bf16.f32 v7;
	v45 =	vld.idx.msk [tilespmem:v4+s31+$0xFFFFE040 ss:$0x1], $0xffff;
	v21 =	vadd.f32 v13, v21;
	v56 =	vmul.f32 v15, v56  }
0xa3: {  	v13 =	vld.idx.msk [tilespmem:v2+s31+$0xFFFFFF30 ss:$0x1], $0xffff;
	v41 =	vadd.f32 v63, v62;
	v62 =	vmul.f32 v25, v42;
	v63 =	vmul.f32 v33, v38  }
0xa4: {  	v60 =	vunpack.i.l.bf16.f32 v8;
	v15 =	vld.idx.msk [tilespmem:v2+s31+$0xFFFFFFB0 ss:$0x1], $0xffff;
	v33 =	vmul.f32 v33, v42;
	v25 =	vmul.f32 v25, v38  }
0xa5: {  	s3 =	sor.u32 $0x20C0, s29;
	v6 =	vunpack.i.u.bf16.f32 v6;
	v39 =	vmul.f32 v39, v58;
	v35 =	vsub.f32 v35, v61;
	v38 =	vld.idx.msk [tilespmem:v3+s31+$0xFFFFDF40 ss:$0x1], $0xffff  }
0xa6: {  	v37 =	vmul.f32 v37, v57;
	v41 =	vmul.f32 v41, v59;
	v25 =	vsub.f32 v33, v25;
	v33 =	vld [tilespmem:s3+$0x600]  }
0xa7: {  	v30 =	vadd.f32 v39, v30;
	v35 =	vmul.f32 v35, v60;
	v39 =	vld [tilespmem:s3+$0x8600];
	v59 =	vmul.f32 v36, v46  }
0xa8: {  	v7 =	vunpack.i.u.bf16.f32 v7;
	s3 =	sor.u32 $0x2140, s29;
	v60 =	vmul.f32 v54, v26;
	v26 =	vmul.f32 v36, v26;
	v36 =	vld.idx.msk [tilespmem:v3+s31+$0xFFFFE040 ss:$0x1], $0xffff  }
0xa9: {  	v8 =	vunpack.i.u.bf16.f32 v8;
	v61 =	vmul.f32 v54, v46;
	v22 =	vadd.f32 v56, v22;
	v42 =	vld [tilespmem:s3+$0x8600]  }
0xaa: {  	v27 =	vadd.f32 v37, v27;
	v56 =	vmul.f32 v44, v49;
	v41 =	vadd.f32 v41, v48;
	v48 =	vld.idx.msk [tilespmem:v4+s31+$0xFFFFDF40 ss:$0x1], $0xffff  }
0xab: {  	v52 =	vadd.f32 v63, v62;
	v62 =	vmul.f32 v32, v29;
	v11 =	vmul.f32 v25, v11;
	v25 =	vld.idx.msk [tilespmem:v3+s31+$0xFFFFDFC0 ss:$0x1], $0xffff  }
0xac: {  	v63 =	vmul.f32 v55, v31;
	v54 =	vmul.f32 v43, v40;
	v34 =	vadd.f32 v35, v34;
	v35 =	vld [tilespmem:s3+$0x600]  }
0xad: {  	v12 =	vmul.f32 v52, v12;
	v57 =	vadd.f32 v56, v53;
	s3 =	sor.u32 $0x21C0, s29;
	v56 =	vmul.f32 v50, v40;
	v40 =	vld.idx.msk [tilespmem:v3+s31+$0xFFFFDF50 ss:$0x1], $0xffff  }
0xae: {  	v58 =	vmul.f32 v44, v47;
	v49 =	vsub.f32 v61, v26;
	v52 =	vadd.f32 v63, v62;
	v26 =	vld [tilespmem:s3+$0x600]  }
0xaf: {  	v53 =	vmul.f32 v32, v31;
	v61 =	vunpack.i.l.bf16.f32 v17;
	v12 =	vadd.f32 v12, v23;
	v23 =	vld.idx.msk [tilespmem:v4+s31+$0xFFFFDFC0 ss:$0x1], $0xffff  }
0xb0: {  	v10 =	vmul.f32 v57, v10;
	v11 =	vadd.f32 v11, v24;
	v24 =	vsub.f32 v58, v28;
	v28 =	vld [tilespmem:s3+$0x8600]  }
0xb1: {  	v62 =	vunpack.i.l.bf16.f32 v19;
	v6 =	vmul.f32 v49, v6;
	s3 =	sor.u32 $0x2050, s29;
	v57 =	vmul.f32 v43, v51;
	v43 =	vld.idx.msk [tilespmem:v4+s31+$0xFFFFDF50 ss:$0x1], $0xffff  }
0xb2: {  	v17 =	vunpack.i.u.bf16.f32 v17;
	v19 =	vunpack.i.u.bf16.f32 v19;
	v7 =	vmul.f32 v52, v7;
	v32 =	vld [tilespmem:s3+$0x8600]  }
0xb3: {  	v9 =	vmul.f32 v24, v9;
	v24 =	vadd.f32 v6, v30;
	v6 =	vmul.f32 v55, v29;
	v29 =	vld [tilespmem:s3+$0x600];
	s3 =	sor.u32 $0x20D0, s29  }
0xb4: {  	v52 =	vunpack.i.l.bf16.f32 v14;
	v58 =	vmul.f32 v33, v38;
	v10 =	vadd.f32 v10, v21;
	v37 =	vld [tilespmem:s3+$0x600]  }
0xb5: {  	v63 =	vmul.f32 v39, v38;
	v21 =	vadd.f32 v60, v59;
	v7 =	vadd.f32 v7, v41;
	v41 =	vld [tilespmem:s3+$0x8600]  }
0xb6: {  	v55 =	vmul.f32 v50, v51;
	v59 =	vmul.f32 v39, v48;
	v9 =	vadd.f32 v9, v22;
	v22 =	vld.idx.msk [tilespmem:v3+s31+$0xFFFFDED0 ss:$0x1], $0xffff  }
0xb7: {  	s3 =	sor.u32 $0x2150, s29;
	v46 =	vmul.f32 v33, v48;
	v5 =	vmul.f32 v21, v5;
	v21 =	vld.idx.msk [tilespmem:v4+s31+$0xFFFFDED0 ss:$0x1], $0xffff;
	v6 =	vsub.f32 v6, v53  }
0xb8: {  	v48 =	vmul.f32 v42, v25;
	v30 =	vadd.f32 v55, v54;
	v33 =	vld [tilespmem:s3+$0x600];
	v47 =	vmul.f32 v42, v23  }
0xb9: {  	v60 =	vunpack.i.l.bf16.f32 v20;
	v39 =	vld [tilespmem:s3+$0x8600];
	v23 =	vmul.f32 v35, v23;
	v6 =	vmul.f32 v6, v8  }
0xba: {  	v42 =	vld.idx.msk [tilespmem:v4+s31+$0xFFFFE050 ss:$0x1], $0xffff;
	v5 =	vadd.f32 v5, v27;
	v27 =	vsub.f32 v56, v57;
	v8 =	vmul.f32 v30, v60  }
0xbb: {  	s3 =	sor.u32 $0x21D0, s29;
	v31 =	vadd.f32 v59, v58;
	v30 =	vld.idx.msk [tilespmem:v3+s31+$0xFFFFDFD0 ss:$0x1], $0xffff;
	v34 =	vadd.f32 v6, v34;
	v6 =	vunpack.i.l.bf16.f32 v18  }
0xbc: {  	v27 =	vmul.f32 v27, v61;
	v44 =	vadd.f32 v8, v12;
	v12 =	vsub.f32 v48, v23;
	v23 =	vld [tilespmem:s3+$0x600]  }
0xbd: {  	v14 =	vunpack.i.u.bf16.f32 v14;
	v51 =	vunpack.i.l.bf16.f32 v13;
	v6 =	vmul.f32 v31, v6;
	v31 =	vld.idx.msk [tilespmem:v4+s31+$0xFFFFDFD0 ss:$0x1], $0xffff  }
0xbe: {  	v49 =	vmul.f32 v26, v36;
	v27 =	vadd.f32 v27, v11;
	v54 =	vmul.f32 v12, v52;
	v12 =	vld.idx.msk [tilespmem:v2+s31+$0xFFFFFE40 ss:$0x1], $0xffff  }
0xbf: {  	v11 =	vsub.f32 v63, v46;
	v38 =	vadd.f32 v6, v10;
	v6 =	vmul.f32 v35, v25;
	v25 =	vld.idx.msk [tilespmem:v3+s31+$0xFFFFE050 ss:$0x1], $0xffff  }
0xc0: {  	v13 =	vunpack.i.u.bf16.f32 v13;
	v56 =	vmul.f32 v28, v36;
	v57 =	vmul.f32 v26, v45;
	v35 =	vld [tilespmem:s3+$0x8600]  }
0xc1: {  	v53 =	vunpack.i.l.bf16.f32 v15;
	v60 =	vmul.f32 v37, v40;
	s3 =	sor.u32 $0x2060, s29;
	v8 =	vmul.f32 v11, v62;
	v11 =	vld.idx.msk [tilespmem:v2+s31+$0x0 ss:$0x1], $0xffff  }
0xc2: {  	v55 =	vunpack.i.u.bf16.f32 v20;
	v37 =	vmul.f32 v37, v43;
	v63 =	vmul.f32 v41, v43;
	v43 =	vld [tilespmem:s3+$0x600]  }
0xc3: {  	v50 =	vmul.f32 v28, v45;
	v28 =	vsub.f32 v56, v57;
	v61 =	vmul.f32 v41, v40;
	v48 =	vld [tilespmem:s3+$0x8600];
	s3 =	sor.u32 $0x20E0, s29  }
0xc4: {  	v18 =	vunpack.i.u.bf16.f32 v18;
	v20 =	vadd.f32 v54, v24;
	v62 =	vunpack.i.l.bf16.f32 v16;
	v54 =	vld [tilespmem:s3+$0x600]  }
0xc5: {  	v59 =	vmul.f32 v32, v21;
	v6 =	vadd.f32 v47, v6;
	v28 =	vmul.f32 v28, v62;
	v62 =	vld.idx.msk [tilespmem:v4+s31+$0xFFFFE060 ss:$0x1], $0xffff  }
0xc6: {  	v21 =	vmul.f32 v29, v21;
	v41 =	vsub.f32 v61, v37;
	v46 =	vadd.f32 v8, v9;
	v8 =	vld.idx.msk [tilespmem:v2+s31+$0xFFFFFEC0 ss:$0x1], $0xffff  }
0xc7: {  	v10 =	vadd.f32 v50, v49;
	v49 =	vmul.f32 v39, v30;
	v9 =	vld.idx.msk [tilespmem:v2+s31+$0xFFFFFF40 ss:$0x1], $0xffff;
	v6 =	vmul.f32 v6, v51  }
0xc8: {  	v40 =	vadd.f32 v63, v60;
	v19 =	vmul.f32 v41, v19;
	v28 =	vadd.f32 v28, v34;
	v51 =	vld.idx.msk [tilespmem:v3+s31+$0xFFFFDF60 ss:$0x1], $0xffff  }
0xc9: {  	v34 =	vld.idx.msk [tilespmem:v3+s31+$0xFFFFDF70 ss:$0x1], $0xffff;
	v52 =	vmul.f32 v23, v25;
	v47 =	vadd.f32 v6, v5;
	v5 =	vmul.f32 v10, v53  }
0xca: {  	v16 =	vunpack.i.u.bf16.f32 v16;
	v25 =	vmul.f32 v35, v25;
	v23 =	vmul.f32 v23, v42;
	v6 =	vld.idx.msk [tilespmem:v2+s31+$0xFFFFFE80 ss:$0x1], $0xffff  }
0xcb: {  	v10 =	vld.idx.msk [tilespmem:v2+s31+$0xFFFFFFC0 ss:$0x1], $0xffff;
	v58 =	vadd.f32 v5, v7;
	v7 =	vmul.f32 v29, v22;
	v22 =	vmul.f32 v32, v22  }
0xcc: {  	v18 =	vmul.f32 v40, v18;
	v45 =	vmul.f32 v39, v31;
	v53 =	vld.idx.msk [tilespmem:v4+s31+$0xFFFFDF60 ss:$0x1], $0xffff;
	v23 =	vsub.f32 v25, v23  }
0xcd: {  	v50 =	vmul.f32 v33, v31;
	v25 =	vld.idx.msk [tilespmem:v3+s31+$0xFFFFDFE0 ss:$0x1], $0xffff;
	v26 =	vadd.f32 v59, v7;
	v21 =	vsub.f32 v22, v21  }
0xce: {  	v15 =	vunpack.i.u.bf16.f32 v15;
	v35 =	vmul.f32 v35, v42;
	v32 =	vld.idx.msk [tilespmem:v3+s31+$0xFFFFDEE0 ss:$0x1], $0xffff;
	v16 =	vmul.f32 v23, v16  }
0xcf: {  	v18 =	vadd.f32 v18, v38;
	v5 =	vld.idx.msk [tilespmem:v2+s31+$0xFFFFFF00 ss:$0x1], $0xffff;
	v26 =	vmul.f32 v26, v55;
	v17 =	vmul.f32 v21, v17  }
0xd0: {  	v19 =	vadd.f32 v19, v46;
	v63 =	vunpack.i.l.bf16.f32 v8;
	v16 =	vadd.f32 v16, v28;
	v21 =	vld.idx.msk [tilespmem:v4+s31+$0xFFFFDEE0 ss:$0x1], $0xffff  }
0xd1: {  	v8 =	vunpack.i.u.bf16.f32 v8;
	v55 =	vld [tilespmem:s3+$0x8600];
	s3 =	sor.u32 $0x2160, s29;
	v26 =	vadd.f32 v26, v44;
	v17 =	vadd.f32 v17, v27  }
0xd2: {  	v56 =	vld [tilespmem:s3+$0x600];
	v44 =	vmul.f32 v33, v30;
	v27 =	vsub.f32 v49, v50;
	v33 =	vadd.f32 v35, v52  }
0xd3: {  	v59 =	vunpack.i.l.bf16.f32 v6;
	v57 =	vld [tilespmem:s3+$0x8600];
	v60 =	vmul.f32 v43, v32;
	v32 =	vmul.f32 v48, v32  }
0xd4: {  	v7 =	vld.idx.msk [tilespmem:v2+s31+$0xFFFFFF80 ss:$0x1], $0xffff;
	v6 =	vunpack.i.u.bf16.f32 v6;
	v14 =	vmul.f32 v27, v14;
	v15 =	vmul.f32 v33, v15  }
0xd5: {  	v28 =	vld.idx.msk [tilespmem:v3+s31+$0xFFFFE060 ss:$0x1], $0xffff;
	v29 =	vadd.f32 v45, v44;
	v45 =	vmul.f32 v54, v51;
	v61 =	vmul.f32 v48, v21  }
0xd6: {  	s3 =	sor.u32 $0x21E0, s29;
	v49 =	vunpack.i.l.bf16.f32 v5;
	v27 =	vld.idx.msk [tilespmem:v4+s31+$0xFFFFDFE0 ss:$0x1], $0xffff;
	v21 =	vmul.f32 v43, v21;
	v46 =	vmul.f32 v55, v53  }
0xd7: {  	v50 =	vunpack.i.l.bf16.f32 v9;
	v44 =	vld [tilespmem:s3+$0x600];
	v30 =	vmul.f32 v55, v51;
	v13 =	vmul.f32 v29, v13  }
0xd8: {  	v14 =	vadd.f32 v14, v20;
	v52 =	vmul.f32 v56, v25;
	v20 =	vmul.f32 v57, v25;
	v25 =	vld.idx.msk [tilespmem:v4+s31+$0xFFFFDF70 ss:$0x1], $0xffff  }
0xd9: {  	v48 =	vmul.f32 v54, v53;
	v33 =	vadd.f32 v61, v60;
	v21 =	vsub.f32 v32, v21;
	v32 =	vld.idx.msk [tilespmem:v3+s31+$0xFFFFDEF0 ss:$0x1], $0xffff  }
0xda: {  	v15 =	vadd.f32 v15, v58;
	v58 =	vunpack.i.l.bf16.f32 v12;
	v13 =	vadd.f32 v13, v47;
	v47 =	vld [tilespmem:s3+$0x8600]  }
0xdb: {  	v5 =	vunpack.i.u.bf16.f32 v5;
	v9 =	vunpack.i.u.bf16.f32 v9;
	s3 =	sor.u32 $0x2070, s29;
	v24 =	vmul.f32 v33, v58;
	v33 =	vld.idx.msk [tilespmem:v4+s31+$0xFFFFDEF0 ss:$0x1], $0xffff  }
0xdc: {  	v55 =	vunpack.i.l.bf16.f32 v7;
	v51 =	vadd.f32 v46, v45;
	v30 =	vsub.f32 v30, v48;
	v31 =	vld [tilespmem:s3+$0x600]  }
0xdd: {  	v7 =	vunpack.i.u.bf16.f32 v7;
	v21 =	vmul.f32 v21, v59;
	v53 =	vmul.f32 v57, v27;
	v54 =	vld [tilespmem:s3+$0x8600]  }
0xde: {  	v12 =	vunpack.i.u.bf16.f32 v12;
	v29 =	vmul.f32 v51, v63;
	v30 =	vmul.f32 v30, v49;
	s3 =	sor.u32 $0x20F0, s29;
	v63 =	vld.idx.msk [tilespmem:v4+s31+$0xFFFFDFF0 ss:$0x1], $0xffff  }
0xdf: {  	v23 =	vmul.f32 v56, v27;
	v56 =	vmul.f32 v44, v28;
	v58 =	vunpack.i.l.bf16.f32 v10;
	v35 =	vld [tilespmem:s3+$0x600]  }
0xe0: {  	v22 =	vmul.f32 v44, v62;
	v59 =	vld [tilespmem:s3+$0x8600];
	s3 =	sor.u32 $0x21F0, s29;
	v24 =	vadd.f32 v24, v26;
	v26 =	vadd.f32 v53, v52  }
0xe1: {  	v10 =	vunpack.i.u.bf16.f32 v10;
	v17 =	vadd.f32 v21, v17;
	v20 =	vsub.f32 v20, v23;
	v44 =	vld [tilespmem:s3+$0x600]  }
0xe2: {  	v18 =	vadd.f32 v29, v18;
	v46 =	vld [tilespmem:s3+$0x8600];
	v57 =	vmul.f32 v47, v62;
	v26 =	vmul.f32 v26, v50  }
0xe3: {  	v19 =	vadd.f32 v30, v19;
	s3 =	sor.u32 $0x2170, s29;
	v53 =	vld.idx.msk [tilespmem:v4+s31+$0xFFFFE070 ss:$0x1], $0xffff;
	v60 =	vmul.f32 v47, v28;
	v20 =	vmul.f32 v20, v55  }
0xe4: {  	v48 =	vld [tilespmem:s3+$0x600];
	v47 =	vunpack.i.l.bf16.f32 v11;
	v61 =	vmul.f32 v31, v32;
	v62 =	vmul.f32 v54, v33  }
0xe5: {  	v28 =	vld.idx.msk [tilespmem:v3+s31+$0xFFFFDFF0 ss:$0x1], $0xffff;
	v51 =	vmul.f32 v54, v32;
	v52 =	vmul.f32 v31, v33;
	v21 =	vadd.f32 v57, v56  }
0xe6: {  	v50 =	vld.idx.msk [tilespmem:v3+s31+$0xFFFFE070 ss:$0x1], $0xffff;
	v22 =	vsub.f32 v60, v22;
	v56 =	vmul.f32 v35, v34;
	v57 =	vmul.f32 v59, v25  }
0xe7: {  	v13 =	vadd.f32 v26, v13;
	v23 =	vmul.f32 v59, v34;
	v25 =	vmul.f32 v35, v25  }
0xe8: {  	v54 =	vld [tilespmem:s3+$0x8600];
	v45 =	vadd.f32 v62, v61;
	v29 =	vmul.f32 v46, v53;
	v30 =	vmul.f32 v44, v53  }
0xe9: {  	v14 =	vadd.f32 v20, v14;
	v21 =	vmul.f32 v21, v58;
	v49 =	vmul.f32 v22, v47  }
0xea: {  	v55 =	vsub.f32 v51, v52;
	v20 =	vmul.f32 v48, v63;
	v12 =	vmul.f32 v45, v12  }
0xeb: {  	v26 =	vadd.f32 v57, v56;
	v58 =	vmul.f32 v48, v28;
	v59 =	vmul.f32 v44, v50  }
0xec: {  	v22 =	vmul.f32 v46, v50;
	v6 =	vmul.f32 v55, v6;
	v15 =	vadd.f32 v21, v15  }
0xed: {  	v16 =	vadd.f32 v49, v16;
	v60 =	vmul.f32 v54, v63;
	v63 =	vsub.f32 v23, v25  }
0xee: {  	v21 =	vmul.f32 v54, v28;
	v12 =	vadd.f32 v12, v24;
	v61 =	vadd.f32 v29, v59  }
0xef: {  	v8 =	vmul.f32 v26, v8;
	v22 =	vsub.f32 v22, v30;
	v6 =	vadd.f32 v6, v17  }
0xf0: {  	v11 =	vunpack.i.u.bf16.f32 v11;
	v62 =	vadd.f32 v60, v58;
	v20 =	vsub.f32 v21, v20  }
0xf1: {  	v8 =	vadd.f32 v8, v18;
	v5 =	vmul.f32 v63, v5;
	v10 =	vmul.f32 v61, v10  }
0xf2: {  	v11 =	vmul.f32 v22, v11;
	v6 =	vadd.f32 v6, v12;
	v9 =	vmul.f32 v62, v9  }
0xf3: {  	v7 =	vmul.f32 v20, v7;
	v5 =	vadd.f32 v5, v19;
	v10 =	vadd.f32 v10, v15  }
0xf4: {  	p1 =	sne.s32 s30, $0x1800;
	v11 =	vadd.f32 v11, v16;
	v9 =	vadd.f32 v9, v13  }
.Ltmp0:
0xf5: {  	v7 =	vadd.f32 v7, v14;
	v5 =	vadd.f32 v5, v8;
	(pc) =	sbr.rel @p1 .LBB2_5-.Ltmp0, $4  }
0xf6: {  	[tilespmem:s31+$0x14600] =	vst v6;
	v10 =	vadd.f32 v11, v10  }
0xf7: {  	v7 =	vadd.f32 v7, v9;
	[tilespmem:s31+$0x14680] =	vst v5  }
0xf8: {  	[tilespmem:s31+$0x14780] =	vst v10  }
0xf9: {  	s30 =	sadd.s32 $0x800, s30;
	s29 =	sadd.s32 $0x200, s29;
	[tilespmem:s31+$0x14700] =	vst v7  }
0xfa: {  	v2 =	vor.u32 $0x1, v0  }
0xfb: {  	v3 =	vor.u32 $0x2, v0  }
0xfc: {  	v4 =	vor.u32 $0x3, v0  }
0xfd: {  	v5 =	vor.u32 $0x4, v0  }
0xfe: {  	v6 =	vld.idx.msk [tilespmem:v0+s18+$0x0], $0xffff;
	v7 =	vor.u32 $0x5, v0  }
0xff: {  	v8 =	vor.u32 $0x6, v0;
	v2 =	vld.idx.msk [tilespmem:v2+s18+$0x0], $0xffff  }
0x100: {  	v9 =	vor.u32 $0x7, v0;
	v3 =	vld.idx.msk [tilespmem:v3+s18+$0x0], $0xffff  }
0x101: {  	v10 =	vor.u32 $0x8, v0;
	v4 =	vld.idx.msk [tilespmem:v4+s18+$0x0], $0xffff  }
0x102: {  	v11 =	vor.u32 $0x9, v0;
	v5 =	vld.idx.msk [tilespmem:v5+s18+$0x0], $0xffff  }
0x103: {  	v12 =	vor.u32 $0xA, v0;
	v7 =	vld.idx.msk [tilespmem:v7+s18+$0x0], $0xffff  }
0x104: {  	v13 =	vor.u32 $0xB, v0;
	v8 =	vld.idx.msk [tilespmem:v8+s18+$0x0], $0xffff  }
0x105: {  	v14 =	vor.u32 $0xC, v0;
	v9 =	vld.idx.msk [tilespmem:v9+s18+$0x0], $0xffff  }
0x106: {  	v15 =	vor.u32 $0xD, v0;
	v10 =	vld.idx.msk [tilespmem:v10+s18+$0x0], $0xffff  }
0x107: {  	v16 =	vor.u32 $0xE, v0;
	v11 =	vld.idx.msk [tilespmem:v11+s18+$0x0], $0xffff  }
0x108: {  	v17 =	vor.u32 $0xF, v0;
	v12 =	vld.idx.msk [tilespmem:v12+s18+$0x0], $0xffff  }
0x109: {  	v13 =	vld.idx.msk [tilespmem:v13+s18+$0x0], $0xffff  }
0x10a: {  	v14 =	vld.idx.msk [tilespmem:v14+s18+$0x0], $0xffff  }
0x10b: {  	v15 =	vld.idx.msk [tilespmem:v15+s18+$0x0], $0xffff  }
0x10c: {  	v16 =	vld.idx.msk [tilespmem:v16+s18+$0x0], $0xffff  }
0x10d: {  	v17 =	vld.idx.msk [tilespmem:v17+s18+$0x0], $0xffff;
	_ =	sdelay $0x1  }
0x10e: {  	v2 =	vadd.f32 v2, v6;
	v3 =	vadd.f32 v4, v3  }
0x10f: {  	v56 =	vadd.f32 v7, v5;
	v57 =	vadd.f32 v9, v8  }
0x110: {  	v58 =	vadd.f32 v11, v10;
	v59 =	vadd.f32 v13, v12  }
0x111: {  	v60 =	vadd.f32 v15, v14;
	v61 =	vadd.f32 v17, v16  }
0x112: {  	v2 =	vadd.f32 v3, v2;
	v3 =	vadd.f32 v57, v56  }
0x113: {  	s3 =	sshll.u32 s28, $0x4;
	s28 =	sadd.s32 $0x1, s28;
	v62 =	vadd.f32 v59, v58;
	v63 =	vadd.f32 v61, v60  }
0x114: {  	p1 =	seq.s32 s28, $0x4  }
.Ltmp1:
0x115: {  	v2 =	vadd.f32 v3, v2;
	v3 =	vadd.f32 v63, v62;
	(pc) =	sbr.rel @!p1 .LBB2_4-.Ltmp1, $4  }
0x116: {  	_ = 	snop  }
0x117: {  	v2 =	vadd.f32 v3, v2  }
0x118: {  	s23 =	sadd.s32 $0x800, s23;
	s3 =	sand.u32 $0x3FFFFFF0, s3  }
0x119: {  	s24 =	sadd.s32 $0x800, s24;
	s25 =	sadd.s32 $0x800, s25;
	s26 =	sadd.s32 $0x800, s26;
	[tilespmem:v1+s3+$0x0 ss:$0x1] =	vst.idx.msk $0xffff, v2  }
0x11a: {  	p1 =	seq.s32 s22, $0x8  }
.Ltmp2:
0x11b: {  	_ = 	snop;
	(pc) =	sbr.rel @!p1 .LBB2_3-.Ltmp2, $2  }
0x11c: {  	_ =	sdelay $0x2  }
0x11d: {  	p0 =	por !p0, !p0  }
0x11e: {  	s21 =	sadd.s32 $0x1, s21  }
0x11f: {  	p0 =	sne.s32 s21, s9  }
.Ltmp3:
0x120: {  	_ = 	snop;
	(pc) =	sbr.rel @p0 .LBB2_1-.Ltmp3, $4  }
0x121: {  	[hbm4b:s8+s5] =	stream.linear.scatter [tilespmem:s19], [sflag:$0x3], $0x200, $0x38;
	[tilespmem:$0x15000] =	vst v63  }
0x122: {  	_ =	swait.ge [sflag:s20], $0x200  }
0x123: {  	[sflag:s20] =	ssyncset.done $0x0  }
0x124: {  	[sflag:s20] =	ssyncadd.s32 $0xFFFFFE00  }
0x125: {  	_ =	sfence.sel $0x180000  }
0x126: {  	[bflag:$0x0] =	sbarrier.arrive $0xFFFF  }
0x127: {  	_ =	strace $0x90000047  }
0x128: {  	[bflag:$0x2] =	sbarrier.arrive $0xFFFF  }
0x129: {  	p0 =	sne.s32 s1, $0x0;
	s0 =	rddreg [dreg:$0x5]  }
0x12a: {  	s0 =	sadd.s32 @!p0 $0x100000, s0  }
0x12b: {  	[sflag:s0] =	ssyncadd.tile.s32 @!p0 $0x1;
	_ =	shalt  }
.Lfunc_end2:
_tile_overlayer_lowered:
.L_overlay_start_2:
0x12c: {  	(tag) =	ssettag $0x2  }
0x12d: {  	s0 =	rddreg [dreg:$0x0];
	s2 =	stileid.u32  }
0x12e: {  	s1 =	rddreg [dreg:$0x1];
	p0 =	sne.s32 s2, $0x0  }
0x12f: {  	s3 =	rddreg [dreg:$0x2];
	[bflag:$0x3] =	sbarrier.arrive $0xFFFF;
	s2 =	simm.s32 @!p0 $0x1C03  }
0x130: {  	[timem:s3], [sflag:s2] =	dma.local @!p0 [hbm:s0], s1  }
0x131: {  	s0 =	simm.s32 @!p0 $0x3  }
0x132: {  	_ =	swait.ge @!p0 [sflag:s0], s1  }
0x133: {  	s1 =	ssub.s32 @!p0 $0x0, s1;
	[sflag:s0] =	ssyncset.done @!p0 $0x0  }
0x134: {  	[sflag:s0] =	ssyncadd.s32 @!p0 s1  }
0x135: {  	[bflag:$0x3] =	sbarrier.arrive $0xFFFF  }
0x136: {  	_ =	shalt  }

</sc_bundles>
